<compile_context>
chip_gen: v7x
topology: tpu7x:2x2x1
jax: 0.10.2.dev20260603
libtpu: 0.0.44.dev20260713+nightly
codegen_flags: <defaults>
</compile_context>

<pallas_src>
import functools

import jax
import jax.numpy as jnp
from jax import lax
from jax.experimental import pallas as pl
from jax.experimental.pallas import tpu as pltpu
from jax.experimental.pallas import tpu_sc as plsc

_NUM_Q = 6
_K = 1024
_D = 256
_BLK = 1024

_NC = 2
_NS = 16
_NW = _NC * _NS


def _stage_body(r_ref, cb_ref, a_ref, c_ref, idx_ref, loss_ref, perp_ref,
                *, n_blocks, n_tokens):
    cb = cb_ref[...]
    c = c_ref[...]
    counts = jnp.zeros((1, _K), jnp.float32)
    loss = jnp.zeros((1, 1), jnp.float32)
    for tb in range(n_blocks):
        sl = pl.ds(tb * _BLK, _BLK)
        r = r_ref[sl, :]
        a = a_ref[:, sl]
        m = jax.lax.dot_general(r, cb,
                                dimension_numbers=(((1,), (1,)), ((), ())),
                                preferred_element_type=jnp.float32)
        a_col = jnp.transpose(a, (1, 0))
        dist = a_col - 2.0 * m + c
        mn = jnp.min(dist, axis=-1, keepdims=True)
        iota_f = jax.lax.broadcasted_iota(jnp.int32, dist.shape, 1).astype(
            jnp.float32)
        idx_f = jnp.min(jnp.where(dist == mn, iota_f, jnp.float32(_K)),
                        axis=-1)
        idx_ref[sl] = idx_f.astype(jnp.int32)
        onehot = (iota_f == idx_f[:, None]).astype(jnp.float32)
        counts = counts + jnp.sum(onehot, axis=0, keepdims=True)
        loss = loss + jnp.sum(mn).reshape(1, 1)
    prob = counts / jnp.float32(n_tokens)
    perp_ref[...] = jnp.exp(-jnp.sum(prob * jnp.log(prob + 1e-7))).reshape(1, 1)
    loss_ref[...] = loss / jnp.float32(n_tokens * _D)


def _stage_call(r, cb, a_row, c_row):
    b = r.shape[0]
    n_blocks = b // _BLK
    body = functools.partial(_stage_body, n_blocks=n_blocks, n_tokens=b)
    return pl.pallas_call(
        body,
        out_shape=[
            jax.ShapeDtypeStruct((b,), jnp.int32),
            jax.ShapeDtypeStruct((1, 1), jnp.float32),
            jax.ShapeDtypeStruct((1, 1), jnp.float32),
        ],
    )(r, cb, a_row, c_row)


def _make_sc_gather(b):
    b_per_w = b // _NW
    mesh = plsc.VectorSubcoreMesh(core_axis_name="c", subcore_axis_name="s")

    @functools.partial(
        pl.kernel, mesh=mesh,
        out_type=jax.ShapeDtypeStruct((b, _D), jnp.float32),
        scratch_types=[
            pltpu.VMEM((b_per_w,), jnp.int32),
            pltpu.VMEM((b_per_w, _D), jnp.float32),
            pltpu.SemaphoreType.DMA,
        ],
    )
    def gather_rows(table_hbm, idx_hbm, out_hbm, idx_v, rows_v, sem):
        wid = lax.axis_index("s") * _NC + lax.axis_index("c")
        base = wid * b_per_w
        pltpu.sync_copy(idx_hbm.at[pl.ds(base, b_per_w)], idx_v)
        pltpu.async_copy(table_hbm.at[idx_v], rows_v, sem).wait()
        pltpu.sync_copy(rows_v, out_hbm.at[pl.ds(base, b_per_w)])

    return gather_rows


_sc_gather = _make_sc_gather(4096)


def kernel(x, codebooks):
    n, cdim, t = x.shape
    q_num, k_num, d = codebooks.shape
    r0 = jnp.transpose(x, (0, 2, 1)).reshape(n * t, cdim)
    c_all = jnp.sum(codebooks ** 2, axis=-1)
    r = r0
    idxs, losses, perps = [], [], []
    for q in range(q_num):
        a = jnp.sum(r ** 2, axis=-1, keepdims=True)
        idx, loss, perp = _stage_call(
            r, codebooks[q], jnp.transpose(a, (1, 0)), c_all[q][None, :])
        xd = _sc_gather(codebooks[q], idx)
        x_st = r + (xd - r)
        r = r - x_st
        idxs.append(idx.reshape(n, t))
        losses.append(loss[0, 0])
        perps.append(perp[0, 0])
    out = r0 - r
    quantized_out = jnp.transpose(out.reshape(n, t, cdim), (0, 2, 1))
    return (quantized_out, jnp.stack(idxs, axis=-1), jnp.stack(losses),
            jnp.stack(perps))

# --- scband reference (transcript-rebuilt; emitter-appended) ---
"""Pipeline reference for scband-residual-vq-13898514170570 (READ-ONLY COPY).

The authoritative reference and input builder live on the scoring server;
editing this copy changes nothing except your own understanding.
"""

import jax, jax.numpy as jnp
import numpy as np

NUM_Q = 6
NB_CODE = 1024
CODE_DIM = 256


def setup_inputs(seed: int = 0) -> dict:
    key = jax.random.key(seed)
    k1, k2 = jax.random.split(key)
    x = jax.random.normal(k1, (16, 256, 256), dtype=jnp.float32)
    codebooks = jax.random.normal(k2, (NUM_Q, NB_CODE, CODE_DIM), dtype=jnp.float32) * 0.1
    return {"x": x, "codebooks": codebooks}


def reference(x, codebooks):
    # Eval-mode ResidualVQ forward (training=False: no gumbel noise, no EMA update,
    # no quantize dropout). x: [N, C, T], codebooks: [Q, K, C].
    N, C, T = x.shape
    Q, K, D = codebooks.shape
    residual = jnp.transpose(x, (0, 2, 1)).reshape(N * T, C)
    quantized_out = jnp.zeros_like(residual)
    all_idx = []
    all_loss = []
    all_perp = []
    for q in range(Q):
        cb = codebooks[q]
        # squared L2 distance: |x|^2 - 2 x k + |k|^2
        dist = jnp.sum(residual ** 2, axis=-1, keepdims=True) - 2.0 * (residual @ cb.T) + jnp.sum(cb ** 2, axis=-1)[None, :]
        idx = jnp.argmax(-dist, axis=-1)
        x_d = jnp.take(cb, idx, axis=0)
        # perplexity (eval path: compute_perplexity)
        counts = jnp.bincount(idx, length=K).astype(jnp.float32)
        prob = counts / jnp.sum(counts)
        perp = jnp.exp(-jnp.sum(prob * jnp.log(prob + 1e-7)))
        # commitment loss vs detached codes
        commit = jnp.mean((residual - jax.lax.stop_gradient(x_d)) ** 2)
        # straight-through estimator
        x_st = residual + jax.lax.stop_gradient(x_d - residual)
        quantized_out = quantized_out + x_st
        residual = residual - jax.lax.stop_gradient(x_st)
        all_idx.append(idx.reshape(N, T))
        all_loss.append(commit)
        all_perp.append(perp)
    quantized_out = jnp.transpose(quantized_out.reshape(N, T, C), (0, 2, 1))
    return (quantized_out, jnp.stack(all_idx, axis=-1), jnp.stack(all_loss), jnp.stack(all_perp))

if __name__ == "__main__":
    import jax
    _d = setup_inputs()
    print(jax.jit(kernel)(*tuple(_d.values())))

</pallas_src>

<mosaic_0001>
#map = affine_map<(d0, d1) -> (0, 0)>
#map1 = affine_map<(d0, d1) -> (0)>
module attributes {stable_mosaic.version = 14 : i64} {
  func.func @gather_rows(%arg0: i32, %arg1: i32, %arg2: memref<1024x256xf32, #tpu.memory_space<hbm>>, %arg3: memref<4096xi32, #tpu.memory_space<hbm>>, %arg4: memref<4096x256xf32, #tpu.memory_space<hbm>>, %arg5: memref<128xi32, #tpu.memory_space<vmem>>, %arg6: memref<128x256xf32, #tpu.memory_space<vmem>>, %arg7: memref<!tpu.dma_semaphore, #tpu.memory_space<semaphore_mem>>) attributes {dimension_semantics = [#tpu.dimension_semantics<core_parallel>, #tpu.dimension_semantics<subcore_parallel>], iteration_bounds = array<i64: 2, 16>, scalar_prefetch = 0 : i64, scratch_operands = 3 : i64, tpu.core_type = #tpu.core_type<sc_vector_subcore>, window_params = [{transform_indices = #map}, {transform_indices = #map1}, {transform_indices = #map}]} {
    %mul3A = arith.constant 2 : i32
    %mul3A_0 = arith.muli %arg1, %mul3A : i32
    %add3A = arith.addi %mul3A_0, %arg0 : i32
    %mul3A_1 = arith.constant 128 : i32
    %mul3A_2 = arith.muli %add3A, %mul3A_1 : i32
    "tpu.region"() ({
      %run_scoped3A = tpu.sem_alloc : memref<!tpu.dma_semaphore, #tpu.memory_space<semaphore_mem>>
      %dma_start3A_7 = tpu.memref_slice %arg3[%mul3A_2] : memref<4096xi32, #tpu.memory_space<hbm>> -> memref<128xi32, #tpu.memory_space<hbm>>
      %dma_start3A_8 = tpu.memref_slice %arg3[%mul3A_2] : memref<4096xi32, #tpu.memory_space<hbm>> -> memref<128xi32, #tpu.memory_space<hbm>>
      tpu.enqueue_dma source(%dma_start3A_8 : memref<128xi32, #tpu.memory_space<hbm>>) target(%arg5 : memref<128xi32, #tpu.memory_space<vmem>>) target_semaphore(%run_scoped3A : memref<!tpu.dma_semaphore, #tpu.memory_space<semaphore_mem>>)
      %dma_wait3A_9 = tpu.memref_slice %arg3[%mul3A_2] : memref<4096xi32, #tpu.memory_space<hbm>> -> memref<128xi32, #tpu.memory_space<hbm>>
      %dma_wait3A_10 = tpu.memref_slice %arg3[%mul3A_2] : memref<4096xi32, #tpu.memory_space<hbm>> -> memref<128xi32, #tpu.memory_space<hbm>>
      tpu.wait_dma2 semaphore(%run_scoped3A : memref<!tpu.dma_semaphore, #tpu.memory_space<semaphore_mem>>) src(%dma_wait3A_10 : memref<128xi32, #tpu.memory_space<hbm>>) dst(%arg5 : memref<128xi32, #tpu.memory_space<vmem>>)
      tpu.yield
    }) : () -> ()
    %dma_start3A = arith.constant 0 : i32
    %dma_start3A_3 = arith.constant 0 : i32
    %dma_start3A_4 = tpu.memref_slice %arg2[%dma_start3A, %dma_start3A_3] : memref<1024x256xf32, #tpu.memory_space<hbm>> -> memref<1024x256xf32, #tpu.memory_space<hbm>>
    tpu.enqueue_indirect_dma source(%dma_start3A_4 : memref<1024x256xf32, #tpu.memory_space<hbm>>) target(%arg6 : memref<128x256xf32, #tpu.memory_space<vmem>>) offsets(%arg5 : memref<128xi32, #tpu.memory_space<vmem>>) semaphore(%arg7 : memref<!tpu.dma_semaphore, #tpu.memory_space<semaphore_mem>>)
    %dma_wait3A = arith.constant 0 : i32
    %dma_wait3A_5 = arith.constant 0 : i32
    %dma_wait3A_6 = tpu.memref_slice %arg2[%dma_wait3A, %dma_wait3A_5] : memref<1024x256xf32, #tpu.memory_space<hbm>> -> memref<1024x256xf32, #tpu.memory_space<hbm>>
    tpu.wait_indirect_dma semaphore(%arg7 : memref<!tpu.dma_semaphore, #tpu.memory_space<semaphore_mem>>) src(%dma_wait3A_6 : memref<1024x256xf32, #tpu.memory_space<hbm>>) dst(%arg6 : memref<128x256xf32, #tpu.memory_space<vmem>>)
    "tpu.region"() ({
      %run_scoped3A = tpu.sem_alloc : memref<!tpu.dma_semaphore, #tpu.memory_space<semaphore_mem>>
      %dma_start3A_7 = arith.constant 0 : i32
      %dma_start3A_8 = tpu.memref_slice %arg4[%mul3A_2, %dma_start3A_7] : memref<4096x256xf32, #tpu.memory_space<hbm>> -> memref<128x256xf32, #tpu.memory_space<hbm>>
      %dma_start3A_9 = arith.constant 0 : i32
      %dma_start3A_10 = tpu.memref_slice %arg4[%mul3A_2, %dma_start3A_9] : memref<4096x256xf32, #tpu.memory_space<hbm>> -> memref<128x256xf32, #tpu.memory_space<hbm>>
      tpu.enqueue_dma source(%arg6 : memref<128x256xf32, #tpu.memory_space<vmem>>) target(%dma_start3A_10 : memref<128x256xf32, #tpu.memory_space<hbm>>) target_semaphore(%run_scoped3A : memref<!tpu.dma_semaphore, #tpu.memory_space<semaphore_mem>>)
      %dma_wait3A_11 = arith.constant 0 : i32
      %dma_wait3A_12 = tpu.memref_slice %arg4[%mul3A_2, %dma_wait3A_11] : memref<4096x256xf32, #tpu.memory_space<hbm>> -> memref<128x256xf32, #tpu.memory_space<hbm>>
      %dma_wait3A_13 = arith.constant 0 : i32
      %dma_wait3A_14 = tpu.memref_slice %arg4[%mul3A_2, %dma_wait3A_13] : memref<4096x256xf32, #tpu.memory_space<hbm>> -> memref<128x256xf32, #tpu.memory_space<hbm>>
      tpu.wait_dma2 semaphore(%run_scoped3A : memref<!tpu.dma_semaphore, #tpu.memory_space<semaphore_mem>>) src(%arg6 : memref<128x256xf32, #tpu.memory_space<vmem>>) dst(%dma_wait3A_14 : memref<128x256xf32, #tpu.memory_space<hbm>>)
      tpu.yield
    }) : () -> ()
    return
  }
}

#map = affine_map<(d0, d1) -> (0, 0)>
#map1 = affine_map<(d0, d1) -> (0)>
module attributes {stable_mosaic.version = 14 : i64} {
  func.func @gather_rows(%arg0: i32, %arg1: i32, %arg2: memref<1024x256xf32, #tpu.memory_space<hbm>>, %arg3: memref<4096xi32, #tpu.memory_space<hbm>>, %arg4: memref<4096x256xf32, #tpu.memory_space<hbm>>, %arg5: memref<128xi32, #tpu.memory_space<vmem>>, %arg6: memref<128x256xf32, #tpu.memory_space<vmem>>, %arg7: memref<!tpu.dma_semaphore, #tpu.memory_space<semaphore_mem>>) attributes {dimension_semantics = [#tpu.dimension_semantics<core_parallel>, #tpu.dimension_semantics<subcore_parallel>], iteration_bounds = array<i64: 2, 16>, scalar_prefetch = 0 : i64, scratch_operands = 3 : i64, tpu.core_type = #tpu.core_type<sc_vector_subcore>, window_params = [{transform_indices = #map}, {transform_indices = #map1}, {transform_indices = #map}]} {
    %mul3A = arith.constant 2 : i32
    %mul3A_0 = arith.muli %arg1, %mul3A : i32
    %add3A = arith.addi %mul3A_0, %arg0 : i32
    %mul3A_1 = arith.constant 128 : i32
    %mul3A_2 = arith.muli %add3A, %mul3A_1 : i32
    "tpu.region"() ({
      %run_scoped3A = tpu.sem_alloc : memref<!tpu.dma_semaphore, #tpu.memory_space<semaphore_mem>>
      %dma_start3A_7 = tpu.memref_slice %arg3[%mul3A_2] : memref<4096xi32, #tpu.memory_space<hbm>> -> memref<128xi32, #tpu.memory_space<hbm>>
      %dma_start3A_8 = tpu.memref_slice %arg3[%mul3A_2] : memref<4096xi32, #tpu.memory_space<hbm>> -> memref<128xi32, #tpu.memory_space<hbm>>
      tpu.enqueue_dma source(%dma_start3A_8 : memref<128xi32, #tpu.memory_space<hbm>>) target(%arg5 : memref<128xi32, #tpu.memory_space<vmem>>) target_semaphore(%run_scoped3A : memref<!tpu.dma_semaphore, #tpu.memory_space<semaphore_mem>>)
      %dma_wait3A_9 = tpu.memref_slice %arg3[%mul3A_2] : memref<4096xi32, #tpu.memory_space<hbm>> -> memref<128xi32, #tpu.memory_space<hbm>>
      %dma_wait3A_10 = tpu.memref_slice %arg3[%mul3A_2] : memref<4096xi32, #tpu.memory_space<hbm>> -> memref<128xi32, #tpu.memory_space<hbm>>
      tpu.wait_dma2 semaphore(%run_scoped3A : memref<!tpu.dma_semaphore, #tpu.memory_space<semaphore_mem>>) src(%dma_wait3A_10 : memref<128xi32, #tpu.memory_space<hbm>>) dst(%arg5 : memref<128xi32, #tpu.memory_space<vmem>>)
      tpu.yield
    }) : () -> ()
    %dma_start3A = arith.constant 0 : i32
    %dma_start3A_3 = arith.constant 0 : i32
    %dma_start3A_4 = tpu.memref_slice %arg2[%dma_start3A, %dma_start3A_3] : memref<1024x256xf32, #tpu.memory_space<hbm>> -> memref<1024x256xf32, #tpu.memory_space<hbm>>
    tpu.enqueue_indirect_dma source(%dma_start3A_4 : memref<1024x256xf32, #tpu.memory_space<hbm>>) target(%arg6 : memref<128x256xf32, #tpu.memory_space<vmem>>) offsets(%arg5 : memref<128xi32, #tpu.memory_space<vmem>>) semaphore(%arg7 : memref<!tpu.dma_semaphore, #tpu.memory_space<semaphore_mem>>)
    %dma_wait3A = arith.constant 0 : i32
    %dma_wait3A_5 = arith.constant 0 : i32
    %dma_wait3A_6 = tpu.memref_slice %arg2[%dma_wait3A, %dma_wait3A_5] : memref<1024x256xf32, #tpu.memory_space<hbm>> -> memref<1024x256xf32, #tpu.memory_space<hbm>>
    tpu.wait_indirect_dma semaphore(%arg7 : memref<!tpu.dma_semaphore, #tpu.memory_space<semaphore_mem>>) src(%dma_wait3A_6 : memref<1024x256xf32, #tpu.memory_space<hbm>>) dst(%arg6 : memref<128x256xf32, #tpu.memory_space<vmem>>)
    "tpu.region"() ({
      %run_scoped3A = tpu.sem_alloc : memref<!tpu.dma_semaphore, #tpu.memory_space<semaphore_mem>>
      %dma_start3A_7 = arith.constant 0 : i32
      %dma_start3A_8 = tpu.memref_slice %arg4[%mul3A_2, %dma_start3A_7] : memref<4096x256xf32, #tpu.memory_space<hbm>> -> memref<128x256xf32, #tpu.memory_space<hbm>>
      %dma_start3A_9 = arith.constant 0 : i32
      %dma_start3A_10 = tpu.memref_slice %arg4[%mul3A_2, %dma_start3A_9] : memref<4096x256xf32, #tpu.memory_space<hbm>> -> memref<128x256xf32, #tpu.memory_space<hbm>>
      tpu.enqueue_dma source(%arg6 : memref<128x256xf32, #tpu.memory_space<vmem>>) target(%dma_start3A_10 : memref<128x256xf32, #tpu.memory_space<hbm>>) target_semaphore(%run_scoped3A : memref<!tpu.dma_semaphore, #tpu.memory_space<semaphore_mem>>)
      %dma_wait3A_11 = arith.constant 0 : i32
      %dma_wait3A_12 = tpu.memref_slice %arg4[%mul3A_2, %dma_wait3A_11] : memref<4096x256xf32, #tpu.memory_space<hbm>> -> memref<128x256xf32, #tpu.memory_space<hbm>>
      %dma_wait3A_13 = arith.constant 0 : i32
      %dma_wait3A_14 = tpu.memref_slice %arg4[%mul3A_2, %dma_wait3A_13] : memref<4096x256xf32, #tpu.memory_space<hbm>> -> memref<128x256xf32, #tpu.memory_space<hbm>>
      tpu.wait_dma2 semaphore(%run_scoped3A : memref<!tpu.dma_semaphore, #tpu.memory_space<semaphore_mem>>) src(%arg6 : memref<128x256xf32, #tpu.memory_space<vmem>>) dst(%dma_wait3A_14 : memref<128x256xf32, #tpu.memory_space<hbm>>)
      tpu.yield
    }) : () -> ()
    return
  }
}

#map = affine_map<(d0, d1) -> (0, 0)>
#map1 = affine_map<(d0, d1) -> (0)>
module attributes {stable_mosaic.version = 14 : i64} {
  func.func @gather_rows(%arg0: i32, %arg1: i32, %arg2: memref<1024x256xf32, #tpu.memory_space<hbm>>, %arg3: memref<4096xi32, #tpu.memory_space<hbm>>, %arg4: memref<4096x256xf32, #tpu.memory_space<hbm>>, %arg5: memref<128xi32, #tpu.memory_space<vmem>>, %arg6: memref<128x256xf32, #tpu.memory_space<vmem>>, %arg7: memref<!tpu.dma_semaphore, #tpu.memory_space<semaphore_mem>>) attributes {dimension_semantics = [#tpu.dimension_semantics<core_parallel>, #tpu.dimension_semantics<subcore_parallel>], iteration_bounds = array<i64: 2, 16>, scalar_prefetch = 0 : i64, scratch_operands = 3 : i64, tpu.core_type = #tpu.core_type<sc_vector_subcore>, window_params = [{transform_indices = #map}, {transform_indices = #map1}, {transform_indices = #map}]} {
    %mul3A = arith.constant 2 : i32
    %mul3A_0 = arith.muli %arg1, %mul3A : i32
    %add3A = arith.addi %mul3A_0, %arg0 : i32
    %mul3A_1 = arith.constant 128 : i32
    %mul3A_2 = arith.muli %add3A, %mul3A_1 : i32
    "tpu.region"() ({
      %run_scoped3A = tpu.sem_alloc : memref<!tpu.dma_semaphore, #tpu.memory_space<semaphore_mem>>
      %dma_start3A_7 = tpu.memref_slice %arg3[%mul3A_2] : memref<4096xi32, #tpu.memory_space<hbm>> -> memref<128xi32, #tpu.memory_space<hbm>>
      %dma_start3A_8 = tpu.memref_slice %arg3[%mul3A_2] : memref<4096xi32, #tpu.memory_space<hbm>> -> memref<128xi32, #tpu.memory_space<hbm>>
      tpu.enqueue_dma source(%dma_start3A_8 : memref<128xi32, #tpu.memory_space<hbm>>) target(%arg5 : memref<128xi32, #tpu.memory_space<vmem>>) target_semaphore(%run_scoped3A : memref<!tpu.dma_semaphore, #tpu.memory_space<semaphore_mem>>)
      %dma_wait3A_9 = tpu.memref_slice %arg3[%mul3A_2] : memref<4096xi32, #tpu.memory_space<hbm>> -> memref<128xi32, #tpu.memory_space<hbm>>
      %dma_wait3A_10 = tpu.memref_slice %arg3[%mul3A_2] : memref<4096xi32, #tpu.memory_space<hbm>> -> memref<128xi32, #tpu.memory_space<hbm>>
      tpu.wait_dma2 semaphore(%run_scoped3A : memref<!tpu.dma_semaphore, #tpu.memory_space<semaphore_mem>>) src(%dma_wait3A_10 : memref<128xi32, #tpu.memory_space<hbm>>) dst(%arg5 : memref<128xi32, #tpu.memory_space<vmem>>)
      tpu.yield
    }) : () -> ()
    %dma_start3A = arith.constant 0 : i32
    %dma_start3A_3 = arith.constant 0 : i32
    %dma_start3A_4 = tpu.memref_slice %arg2[%dma_start3A, %dma_start3A_3] : memref<1024x256xf32, #tpu.memory_space<hbm>> -> memref<1024x256xf32, #tpu.memory_space<hbm>>
    tpu.enqueue_indirect_dma source(%dma_start3A_4 : memref<1024x256xf32, #tpu.memory_space<hbm>>) target(%arg6 : memref<128x256xf32, #tpu.memory_space<vmem>>) offsets(%arg5 : memref<128xi32, #tpu.memory_space<vmem>>) semaphore(%arg7 : memref<!tpu.dma_semaphore, #tpu.memory_space<semaphore_mem>>)
    %dma_wait3A = arith.constant 0 : i32
    %dma_wait3A_5 = arith.constant 0 : i32
    %dma_wait3A_6 = tpu.memref_slice %arg2[%dma_wait3A, %dma_wait3A_5] : memref<1024x256xf32, #tpu.memory_space<hbm>> -> memref<1024x256xf32, #tpu.memory_space<hbm>>
    tpu.wait_indirect_dma semaphore(%arg7 : memref<!tpu.dma_semaphore, #tpu.memory_space<semaphore_mem>>) src(%dma_wait3A_6 : memref<1024x256xf32, #tpu.memory_space<hbm>>) dst(%arg6 : memref<128x256xf32, #tpu.memory_space<vmem>>)
    "tpu.region"() ({
      %run_scoped3A = tpu.sem_alloc : memref<!tpu.dma_semaphore, #tpu.memory_space<semaphore_mem>>
      %dma_start3A_7 = arith.constant 0 : i32
      %dma_start3A_8 = tpu.memref_slice %arg4[%mul3A_2, %dma_start3A_7] : memref<4096x256xf32, #tpu.memory_space<hbm>> -> memref<128x256xf32, #tpu.memory_space<hbm>>
      %dma_start3A_9 = arith.constant 0 : i32
      %dma_start3A_10 = tpu.memref_slice %arg4[%mul3A_2, %dma_start3A_9] : memref<4096x256xf32, #tpu.memory_space<hbm>> -> memref<128x256xf32, #tpu.memory_space<hbm>>
      tpu.enqueue_dma source(%arg6 : memref<128x256xf32, #tpu.memory_space<vmem>>) target(%dma_start3A_10 : memref<128x256xf32, #tpu.memory_space<hbm>>) target_semaphore(%run_scoped3A : memref<!tpu.dma_semaphore, #tpu.memory_space<semaphore_mem>>)
      %dma_wait3A_11 = arith.constant 0 : i32
      %dma_wait3A_12 = tpu.memref_slice %arg4[%mul3A_2, %dma_wait3A_11] : memref<4096x256xf32, #tpu.memory_space<hbm>> -> memref<128x256xf32, #tpu.memory_space<hbm>>
      %dma_wait3A_13 = arith.constant 0 : i32
      %dma_wait3A_14 = tpu.memref_slice %arg4[%mul3A_2, %dma_wait3A_13] : memref<4096x256xf32, #tpu.memory_space<hbm>> -> memref<128x256xf32, #tpu.memory_space<hbm>>
      tpu.wait_dma2 semaphore(%run_scoped3A : memref<!tpu.dma_semaphore, #tpu.memory_space<semaphore_mem>>) src(%arg6 : memref<128x256xf32, #tpu.memory_space<vmem>>) dst(%dma_wait3A_14 : memref<128x256xf32, #tpu.memory_space<hbm>>)
      tpu.yield
    }) : () -> ()
    return
  }
}

#map = affine_map<(d0, d1) -> (0, 0)>
#map1 = affine_map<(d0, d1) -> (0)>
module attributes {stable_mosaic.version = 14 : i64} {
  func.func @gather_rows(%arg0: i32, %arg1: i32, %arg2: memref<1024x256xf32, #tpu.memory_space<hbm>>, %arg3: memref<4096xi32, #tpu.memory_space<hbm>>, %arg4: memref<4096x256xf32, #tpu.memory_space<hbm>>, %arg5: memref<128xi32, #tpu.memory_space<vmem>>, %arg6: memref<128x256xf32, #tpu.memory_space<vmem>>, %arg7: memref<!tpu.dma_semaphore, #tpu.memory_space<semaphore_mem>>) attributes {dimension_semantics = [#tpu.dimension_semantics<core_parallel>, #tpu.dimension_semantics<subcore_parallel>], iteration_bounds = array<i64: 2, 16>, scalar_prefetch = 0 : i64, scratch_operands = 3 : i64, tpu.core_type = #tpu.core_type<sc_vector_subcore>, window_params = [{transform_indices = #map}, {transform_indices = #map1}, {transform_indices = #map}]} {
    %mul3A = arith.constant 2 : i32
    %mul3A_0 = arith.muli %arg1, %mul3A : i32
    %add3A = arith.addi %mul3A_0, %arg0 : i32
    %mul3A_1 = arith.constant 128 : i32
    %mul3A_2 = arith.muli %add3A, %mul3A_1 : i32
    "tpu.region"() ({
      %run_scoped3A = tpu.sem_alloc : memref<!tpu.dma_semaphore, #tpu.memory_space<semaphore_mem>>
      %dma_start3A_7 = tpu.memref_slice %arg3[%mul3A_2] : memref<4096xi32, #tpu.memory_space<hbm>> -> memref<128xi32, #tpu.memory_space<hbm>>
      %dma_start3A_8 = tpu.memref_slice %arg3[%mul3A_2] : memref<4096xi32, #tpu.memory_space<hbm>> -> memref<128xi32, #tpu.memory_space<hbm>>
      tpu.enqueue_dma source(%dma_start3A_8 : memref<128xi32, #tpu.memory_space<hbm>>) target(%arg5 : memref<128xi32, #tpu.memory_space<vmem>>) target_semaphore(%run_scoped3A : memref<!tpu.dma_semaphore, #tpu.memory_space<semaphore_mem>>)
      %dma_wait3A_9 = tpu.memref_slice %arg3[%mul3A_2] : memref<4096xi32, #tpu.memory_space<hbm>> -> memref<128xi32, #tpu.memory_space<hbm>>
      %dma_wait3A_10 = tpu.memref_slice %arg3[%mul3A_2] : memref<4096xi32, #tpu.memory_space<hbm>> -> memref<128xi32, #tpu.memory_space<hbm>>
      tpu.wait_dma2 semaphore(%run_scoped3A : memref<!tpu.dma_semaphore, #tpu.memory_space<semaphore_mem>>) src(%dma_wait3A_10 : memref<128xi32, #tpu.memory_space<hbm>>) dst(%arg5 : memref<128xi32, #tpu.memory_space<vmem>>)
      tpu.yield
    }) : () -> ()
    %dma_start3A = arith.constant 0 : i32
    %dma_start3A_3 = arith.constant 0 : i32
    %dma_start3A_4 = tpu.memref_slice %arg2[%dma_start3A, %dma_start3A_3] : memref<1024x256xf32, #tpu.memory_space<hbm>> -> memref<1024x256xf32, #tpu.memory_space<hbm>>
    tpu.enqueue_indirect_dma source(%dma_start3A_4 : memref<1024x256xf32, #tpu.memory_space<hbm>>) target(%arg6 : memref<128x256xf32, #tpu.memory_space<vmem>>) offsets(%arg5 : memref<128xi32, #tpu.memory_space<vmem>>) semaphore(%arg7 : memref<!tpu.dma_semaphore, #tpu.memory_space<semaphore_mem>>)
    %dma_wait3A = arith.constant 0 : i32
    %dma_wait3A_5 = arith.constant 0 : i32
    %dma_wait3A_6 = tpu.memref_slice %arg2[%dma_wait3A, %dma_wait3A_5] : memref<1024x256xf32, #tpu.memory_space<hbm>> -> memref<1024x256xf32, #tpu.memory_space<hbm>>
    tpu.wait_indirect_dma semaphore(%arg7 : memref<!tpu.dma_semaphore, #tpu.memory_space<semaphore_mem>>) src(%dma_wait3A_6 : memref<1024x256xf32, #tpu.memory_space<hbm>>) dst(%arg6 : memref<128x256xf32, #tpu.memory_space<vmem>>)
    "tpu.region"() ({
      %run_scoped3A = tpu.sem_alloc : memref<!tpu.dma_semaphore, #tpu.memory_space<semaphore_mem>>
      %dma_start3A_7 = arith.constant 0 : i32
      %dma_start3A_8 = tpu.memref_slice %arg4[%mul3A_2, %dma_start3A_7] : memref<4096x256xf32, #tpu.memory_space<hbm>> -> memref<128x256xf32, #tpu.memory_space<hbm>>
      %dma_start3A_9 = arith.constant 0 : i32
      %dma_start3A_10 = tpu.memref_slice %arg4[%mul3A_2, %dma_start3A_9] : memref<4096x256xf32, #tpu.memory_space<hbm>> -> memref<128x256xf32, #tpu.memory_space<hbm>>
      tpu.enqueue_dma source(%arg6 : memref<128x256xf32, #tpu.memory_space<vmem>>) target(%dma_start3A_10 : memref<128x256xf32, #tpu.memory_space<hbm>>) target_semaphore(%run_scoped3A : memref<!tpu.dma_semaphore, #tpu.memory_space<semaphore_mem>>)
      %dma_wait3A_11 = arith.constant 0 : i32
      %dma_wait3A_12 = tpu.memref_slice %arg4[%mul3A_2, %dma_wait3A_11] : memref<4096x256xf32, #tpu.memory_space<hbm>> -> memref<128x256xf32, #tpu.memory_space<hbm>>
      %dma_wait3A_13 = arith.constant 0 : i32
      %dma_wait3A_14 = tpu.memref_slice %arg4[%mul3A_2, %dma_wait3A_13] : memref<4096x256xf32, #tpu.memory_space<hbm>> -> memref<128x256xf32, #tpu.memory_space<hbm>>
      tpu.wait_dma2 semaphore(%run_scoped3A : memref<!tpu.dma_semaphore, #tpu.memory_space<semaphore_mem>>) src(%arg6 : memref<128x256xf32, #tpu.memory_space<vmem>>) dst(%dma_wait3A_14 : memref<128x256xf32, #tpu.memory_space<hbm>>)
      tpu.yield
    }) : () -> ()
    return
  }
}

#map = affine_map<(d0, d1) -> (0, 0)>
#map1 = affine_map<(d0, d1) -> (0)>
module attributes {stable_mosaic.version = 14 : i64} {
  func.func @gather_rows(%arg0: i32, %arg1: i32, %arg2: memref<1024x256xf32, #tpu.memory_space<hbm>>, %arg3: memref<4096xi32, #tpu.memory_space<hbm>>, %arg4: memref<4096x256xf32, #tpu.memory_space<hbm>>, %arg5: memref<128xi32, #tpu.memory_space<vmem>>, %arg6: memref<128x256xf32, #tpu.memory_space<vmem>>, %arg7: memref<!tpu.dma_semaphore, #tpu.memory_space<semaphore_mem>>) attributes {dimension_semantics = [#tpu.dimension_semantics<core_parallel>, #tpu.dimension_semantics<subcore_parallel>], iteration_bounds = array<i64: 2, 16>, scalar_prefetch = 0 : i64, scratch_operands = 3 : i64, tpu.core_type = #tpu.core_type<sc_vector_subcore>, window_params = [{transform_indices = #map}, {transform_indices = #map1}, {transform_indices = #map}]} {
    %mul3A = arith.constant 2 : i32
    %mul3A_0 = arith.muli %arg1, %mul3A : i32
    %add3A = arith.addi %mul3A_0, %arg0 : i32
    %mul3A_1 = arith.constant 128 : i32
    %mul3A_2 = arith.muli %add3A, %mul3A_1 : i32
    "tpu.region"() ({
      %run_scoped3A = tpu.sem_alloc : memref<!tpu.dma_semaphore, #tpu.memory_space<semaphore_mem>>
      %dma_start3A_7 = tpu.memref_slice %arg3[%mul3A_2] : memref<4096xi32, #tpu.memory_space<hbm>> -> memref<128xi32, #tpu.memory_space<hbm>>
      %dma_start3A_8 = tpu.memref_slice %arg3[%mul3A_2] : memref<4096xi32, #tpu.memory_space<hbm>> -> memref<128xi32, #tpu.memory_space<hbm>>
      tpu.enqueue_dma source(%dma_start3A_8 : memref<128xi32, #tpu.memory_space<hbm>>) target(%arg5 : memref<128xi32, #tpu.memory_space<vmem>>) target_semaphore(%run_scoped3A : memref<!tpu.dma_semaphore, #tpu.memory_space<semaphore_mem>>)
      %dma_wait3A_9 = tpu.memref_slice %arg3[%mul3A_2] : memref<4096xi32, #tpu.memory_space<hbm>> -> memref<128xi32, #tpu.memory_space<hbm>>
      %dma_wait3A_10 = tpu.memref_slice %arg3[%mul3A_2] : memref<4096xi32, #tpu.memory_space<hbm>> -> memref<128xi32, #tpu.memory_space<hbm>>
      tpu.wait_dma2 semaphore(%run_scoped3A : memref<!tpu.dma_semaphore, #tpu.memory_space<semaphore_mem>>) src(%dma_wait3A_10 : memref<128xi32, #tpu.memory_space<hbm>>) dst(%arg5 : memref<128xi32, #tpu.memory_space<vmem>>)
      tpu.yield
    }) : () -> ()
    %dma_start3A = arith.constant 0 : i32
    %dma_start3A_3 = arith.constant 0 : i32
    %dma_start3A_4 = tpu.memref_slice %arg2[%dma_start3A, %dma_start3A_3] : memref<1024x256xf32, #tpu.memory_space<hbm>> -> memref<1024x256xf32, #tpu.memory_space<hbm>>
    tpu.enqueue_indirect_dma source(%dma_start3A_4 : memref<1024x256xf32, #tpu.memory_space<hbm>>) target(%arg6 : memref<128x256xf32, #tpu.memory_space<vmem>>) offsets(%arg5 : memref<128xi32, #tpu.memory_space<vmem>>) semaphore(%arg7 : memref<!tpu.dma_semaphore, #tpu.memory_space<semaphore_mem>>)
    %dma_wait3A = arith.constant 0 : i32
    %dma_wait3A_5 = arith.constant 0 : i32
    %dma_wait3A_6 = tpu.memref_slice %arg2[%dma_wait3A, %dma_wait3A_5] : memref<1024x256xf32, #tpu.memory_space<hbm>> -> memref<1024x256xf32, #tpu.memory_space<hbm>>
    tpu.wait_indirect_dma semaphore(%arg7 : memref<!tpu.dma_semaphore, #tpu.memory_space<semaphore_mem>>) src(%dma_wait3A_6 : memref<1024x256xf32, #tpu.memory_space<hbm>>) dst(%arg6 : memref<128x256xf32, #tpu.memory_space<vmem>>)
    "tpu.region"() ({
      %run_scoped3A = tpu.sem_alloc : memref<!tpu.dma_semaphore, #tpu.memory_space<semaphore_mem>>
      %dma_start3A_7 = arith.constant 0 : i32
      %dma_start3A_8 = tpu.memref_slice %arg4[%mul3A_2, %dma_start3A_7] : memref<4096x256xf32, #tpu.memory_space<hbm>> -> memref<128x256xf32, #tpu.memory_space<hbm>>
      %dma_start3A_9 = arith.constant 0 : i32
      %dma_start3A_10 = tpu.memref_slice %arg4[%mul3A_2, %dma_start3A_9] : memref<4096x256xf32, #tpu.memory_space<hbm>> -> memref<128x256xf32, #tpu.memory_space<hbm>>
      tpu.enqueue_dma source(%arg6 : memref<128x256xf32, #tpu.memory_space<vmem>>) target(%dma_start3A_10 : memref<128x256xf32, #tpu.memory_space<hbm>>) target_semaphore(%run_scoped3A : memref<!tpu.dma_semaphore, #tpu.memory_space<semaphore_mem>>)
      %dma_wait3A_11 = arith.constant 0 : i32
      %dma_wait3A_12 = tpu.memref_slice %arg4[%mul3A_2, %dma_wait3A_11] : memref<4096x256xf32, #tpu.memory_space<hbm>> -> memref<128x256xf32, #tpu.memory_space<hbm>>
      %dma_wait3A_13 = arith.constant 0 : i32
      %dma_wait3A_14 = tpu.memref_slice %arg4[%mul3A_2, %dma_wait3A_13] : memref<4096x256xf32, #tpu.memory_space<hbm>> -> memref<128x256xf32, #tpu.memory_space<hbm>>
      tpu.wait_dma2 semaphore(%run_scoped3A : memref<!tpu.dma_semaphore, #tpu.memory_space<semaphore_mem>>) src(%arg6 : memref<128x256xf32, #tpu.memory_space<vmem>>) dst(%dma_wait3A_14 : memref<128x256xf32, #tpu.memory_space<hbm>>)
      tpu.yield
    }) : () -> ()
    return
  }
}

#map = affine_map<(d0, d1) -> (0, 0)>
#map1 = affine_map<(d0, d1) -> (0)>
module attributes {stable_mosaic.version = 14 : i64} {
  func.func @gather_rows(%arg0: i32, %arg1: i32, %arg2: memref<1024x256xf32, #tpu.memory_space<hbm>>, %arg3: memref<4096xi32, #tpu.memory_space<hbm>>, %arg4: memref<4096x256xf32, #tpu.memory_space<hbm>>, %arg5: memref<128xi32, #tpu.memory_space<vmem>>, %arg6: memref<128x256xf32, #tpu.memory_space<vmem>>, %arg7: memref<!tpu.dma_semaphore, #tpu.memory_space<semaphore_mem>>) attributes {dimension_semantics = [#tpu.dimension_semantics<core_parallel>, #tpu.dimension_semantics<subcore_parallel>], iteration_bounds = array<i64: 2, 16>, scalar_prefetch = 0 : i64, scratch_operands = 3 : i64, tpu.core_type = #tpu.core_type<sc_vector_subcore>, window_params = [{transform_indices = #map}, {transform_indices = #map1}, {transform_indices = #map}]} {
    %mul3A = arith.constant 2 : i32
    %mul3A_0 = arith.muli %arg1, %mul3A : i32
    %add3A = arith.addi %mul3A_0, %arg0 : i32
    %mul3A_1 = arith.constant 128 : i32
    %mul3A_2 = arith.muli %add3A, %mul3A_1 : i32
    "tpu.region"() ({
      %run_scoped3A = tpu.sem_alloc : memref<!tpu.dma_semaphore, #tpu.memory_space<semaphore_mem>>
      %dma_start3A_7 = tpu.memref_slice %arg3[%mul3A_2] : memref<4096xi32, #tpu.memory_space<hbm>> -> memref<128xi32, #tpu.memory_space<hbm>>
      %dma_start3A_8 = tpu.memref_slice %arg3[%mul3A_2] : memref<4096xi32, #tpu.memory_space<hbm>> -> memref<128xi32, #tpu.memory_space<hbm>>
      tpu.enqueue_dma source(%dma_start3A_8 : memref<128xi32, #tpu.memory_space<hbm>>) target(%arg5 : memref<128xi32, #tpu.memory_space<vmem>>) target_semaphore(%run_scoped3A : memref<!tpu.dma_semaphore, #tpu.memory_space<semaphore_mem>>)
      %dma_wait3A_9 = tpu.memref_slice %arg3[%mul3A_2] : memref<4096xi32, #tpu.memory_space<hbm>> -> memref<128xi32, #tpu.memory_space<hbm>>
      %dma_wait3A_10 = tpu.memref_slice %arg3[%mul3A_2] : memref<4096xi32, #tpu.memory_space<hbm>> -> memref<128xi32, #tpu.memory_space<hbm>>
      tpu.wait_dma2 semaphore(%run_scoped3A : memref<!tpu.dma_semaphore, #tpu.memory_space<semaphore_mem>>) src(%dma_wait3A_10 : memref<128xi32, #tpu.memory_space<hbm>>) dst(%arg5 : memref<128xi32, #tpu.memory_space<vmem>>)
      tpu.yield
    }) : () -> ()
    %dma_start3A = arith.constant 0 : i32
    %dma_start3A_3 = arith.constant 0 : i32
    %dma_start3A_4 = tpu.memref_slice %arg2[%dma_start3A, %dma_start3A_3] : memref<1024x256xf32, #tpu.memory_space<hbm>> -> memref<1024x256xf32, #tpu.memory_space<hbm>>
    tpu.enqueue_indirect_dma source(%dma_start3A_4 : memref<1024x256xf32, #tpu.memory_space<hbm>>) target(%arg6 : memref<128x256xf32, #tpu.memory_space<vmem>>) offsets(%arg5 : memref<128xi32, #tpu.memory_space<vmem>>) semaphore(%arg7 : memref<!tpu.dma_semaphore, #tpu.memory_space<semaphore_mem>>)
    %dma_wait3A = arith.constant 0 : i32
    %dma_wait3A_5 = arith.constant 0 : i32
    %dma_wait3A_6 = tpu.memref_slice %arg2[%dma_wait3A, %dma_wait3A_5] : memref<1024x256xf32, #tpu.memory_space<hbm>> -> memref<1024x256xf32, #tpu.memory_space<hbm>>
    tpu.wait_indirect_dma semaphore(%arg7 : memref<!tpu.dma_semaphore, #tpu.memory_space<semaphore_mem>>) src(%dma_wait3A_6 : memref<1024x256xf32, #tpu.memory_space<hbm>>) dst(%arg6 : memref<128x256xf32, #tpu.memory_space<vmem>>)
    "tpu.region"() ({
      %run_scoped3A = tpu.sem_alloc : memref<!tpu.dma_semaphore, #tpu.memory_space<semaphore_mem>>
      %dma_start3A_7 = arith.constant 0 : i32
      %dma_start3A_8 = tpu.memref_slice %arg4[%mul3A_2, %dma_start3A_7] : memref<4096x256xf32, #tpu.memory_space<hbm>> -> memref<128x256xf32, #tpu.memory_space<hbm>>
      %dma_start3A_9 = arith.constant 0 : i32
      %dma_start3A_10 = tpu.memref_slice %arg4[%mul3A_2, %dma_start3A_9] : memref<4096x256xf32, #tpu.memory_space<hbm>> -> memref<128x256xf32, #tpu.memory_space<hbm>>
      tpu.enqueue_dma source(%arg6 : memref<128x256xf32, #tpu.memory_space<vmem>>) target(%dma_start3A_10 : memref<128x256xf32, #tpu.memory_space<hbm>>) target_semaphore(%run_scoped3A : memref<!tpu.dma_semaphore, #tpu.memory_space<semaphore_mem>>)
      %dma_wait3A_11 = arith.constant 0 : i32
      %dma_wait3A_12 = tpu.memref_slice %arg4[%mul3A_2, %dma_wait3A_11] : memref<4096x256xf32, #tpu.memory_space<hbm>> -> memref<128x256xf32, #tpu.memory_space<hbm>>
      %dma_wait3A_13 = arith.constant 0 : i32
      %dma_wait3A_14 = tpu.memref_slice %arg4[%mul3A_2, %dma_wait3A_13] : memref<4096x256xf32, #tpu.memory_space<hbm>> -> memref<128x256xf32, #tpu.memory_space<hbm>>
      tpu.wait_dma2 semaphore(%run_scoped3A : memref<!tpu.dma_semaphore, #tpu.memory_space<semaphore_mem>>) src(%arg6 : memref<128x256xf32, #tpu.memory_space<vmem>>) dst(%dma_wait3A_14 : memref<128x256xf32, #tpu.memory_space<hbm>>)
      tpu.yield
    }) : () -> ()
    return
  }
}

module attributes {stable_mosaic.version = 14 : i64} {
  func.func @_stage_body(%arg0: memref<4096x256xf32, #tpu.memory_space<vmem>>, %arg1: memref<1024x256xf32, #tpu.memory_space<vmem>>, %arg2: memref<1x4096xf32, #tpu.memory_space<vmem>>, %arg3: memref<1x1024xf32, #tpu.memory_space<vmem>>, %arg4: memref<4096xi32, #tpu.memory_space<vmem>>, %arg5: memref<1x1xf32, #tpu.memory_space<vmem>>, %arg6: memref<1x1xf32, #tpu.memory_space<vmem>>) attributes {dimension_semantics = [], scalar_prefetch = 0 : i64, scratch_operands = 0 : i64, tpu.core_type = #tpu.core_type<tc>} {
    %get3A = arith.constant 0 : index
    %get3A_0 = arith.constant 0 : index
    %get3A_1 = vector.load %arg1[%get3A, %get3A_0] : memref<1024x256xf32, #tpu.memory_space<vmem>>, vector<1024x256xf32>
    %get3A_2 = arith.constant 0 : index
    %get3A_3 = arith.constant 0 : index
    %get3A_4 = vector.load %arg3[%get3A_2, %get3A_3] : memref<1x1024xf32, #tpu.memory_space<vmem>>, vector<1x1024xf32>
    %broadcast_in_dim3A = arith.constant 0.000000e+00 : f32
    %broadcast_in_dim3A_5 = vector.broadcast %broadcast_in_dim3A : f32 to vector<1x1024xf32>
    %broadcast_in_dim3A_6 = arith.constant 0.000000e+00 : f32
    %broadcast_in_dim3A_7 = vector.broadcast %broadcast_in_dim3A_6 : f32 to vector<1x1xf32>
    %get3A_8 = arith.constant 0 : index
    %get3A_9 = arith.constant 0 : index
    %get3A_10 = vector.load %arg0[%get3A_8, %get3A_9] : memref<4096x256xf32, #tpu.memory_space<vmem>>, vector<1024x256xf32>
    %get3A_11 = arith.constant 0 : index
    %get3A_12 = arith.constant 0 : index
    %get3A_13 = vector.load %arg2[%get3A_11, %get3A_12] : memref<1x4096xf32, #tpu.memory_space<vmem>>, vector<1x1024xf32>
    %dot_general3A = arith.constant dense<0.000000e+00> : vector<1024x1024xf32>
    %dot_general3A_14 = tpu.matmul %get3A_10, %get3A_1, %dot_general3A {dimension_numbers = #tpu.dot_dimension_numbers<[1], [1], [0], [0], [0, 0, 1, 0], [], []>, transpose_lhs_hint = false} : vector<1024x256xf32>, vector<1024x256xf32>, vector<1024x1024xf32> -> vector<1024x1024xf32>
    %transpose3A = tpu.transpose %get3A_13, [1, 0] : vector<1x1024xf32> -> vector<1024x1xf32>
    %mul3A = arith.constant 2.000000e+00 : f32
    %mul3A_15 = vector.broadcast %mul3A : f32 to vector<1024x1024xf32>
    %mul3A_16 = arith.mulf %mul3A_15, %dot_general3A_14 : vector<1024x1024xf32>
    %sub3A = vector.broadcast %transpose3A : vector<1024x1xf32> to vector<1024x1024xf32>
    %sub3A_17 = arith.subf %sub3A, %mul3A_16 : vector<1024x1024xf32>
    %add3A = vector.broadcast %get3A_4 : vector<1x1024xf32> to vector<1024x1024xf32>
    %add3A_18 = arith.addf %sub3A_17, %add3A : vector<1024x1024xf32>
    %reduce_min3A = arith.constant dense<0x7F800000> : vector<1024xf32>
    %reduce_min3A_19 = vector.multi_reduction <minimumf>, %add3A_18, %reduce_min3A [1] : vector<1024x1024xf32> to vector<1024xf32>
    %broadcast_in_dim3A_20 = vector.shape_cast %reduce_min3A_19 : vector<1024xf32> to vector<1024x1xf32>
    %iota3A = tpu.iota {dimensions = array<i32: 1>} : vector<1024x1024xi32>
    %convert_element_type3A = arith.sitofp %iota3A : vector<1024x1024xi32> to vector<1024x1024xf32>
    %eq3A = vector.broadcast %broadcast_in_dim3A_20 : vector<1024x1xf32> to vector<1024x1024xf32>
    %eq3A_21 = arith.cmpf oeq, %add3A_18, %eq3A : vector<1024x1024xf32>
    %jit3A = arith.constant 1.024000e+03 : f32
    %broadcast_in_dim3A_22 = vector.broadcast %jit3A : f32 to vector<1024x1024xf32>
    %select_n3A = arith.select %eq3A_21, %convert_element_type3A, %broadcast_in_dim3A_22 : vector<1024x1024xi1>, vector<1024x1024xf32>
    %reduce_min3A_23 = arith.constant dense<0x7F800000> : vector<1024xf32>
    %reduce_min3A_24 = vector.multi_reduction <minimumf>, %select_n3A, %reduce_min3A_23 [1] : vector<1024x1024xf32> to vector<1024xf32>
    %convert_element_type3A_25 = arith.fptosi %reduce_min3A_24 : vector<1024xf32> to vector<1024xi32>
    %swap3A = arith.constant 0 : index
    %swap3A_26 = vector.load %arg4[%swap3A] : memref<4096xi32, #tpu.memory_space<vmem>>, vector<1024xi32>
    tpu.vector_store %arg4[%swap3A], %convert_element_type3A_25 {strides = array<i32>} : memref<4096xi32, #tpu.memory_space<vmem>>, vector<1024xi32>,
    %broadcast_in_dim3A_27 = vector.shape_cast %reduce_min3A_24 : vector<1024xf32> to vector<1024x1xf32>
    %eq3A_28 = vector.broadcast %broadcast_in_dim3A_27 : vector<1024x1xf32> to vector<1024x1024xf32>
    %eq3A_29 = arith.cmpf oeq, %convert_element_type3A, %eq3A_28 : vector<1024x1024xf32>
    %convert_element_type3A_30 = arith.extui %eq3A_29 : vector<1024x1024xi1> to vector<1024x1024xi32>
    %convert_element_type3A_31 = arith.sitofp %convert_element_type3A_30 : vector<1024x1024xi32> to vector<1024x1024xf32>
    %reduce_sum3A = arith.constant dense<0.000000e+00> : vector<1024xf32>
    %reduce_sum3A_32 = vector.multi_reduction <add>, %convert_element_type3A_31, %reduce_sum3A [0] : vector<1024x1024xf32> to vector<1024xf32>
    %broadcast_in_dim3A_33 = vector.shape_cast %reduce_sum3A_32 : vector<1024xf32> to vector<1x1024xf32>
    %add3A_34 = arith.addf %broadcast_in_dim3A_5, %broadcast_in_dim3A_33 : vector<1x1024xf32>
    %reduce_sum3A_35 = vector.shape_cast %broadcast_in_dim3A_20 : vector<1024x1xf32> to vector<1x1024x1xf32>
    %reduce_sum3A_36 = arith.constant dense<0.000000e+00> : vector<1xf32>
    %reduce_sum3A_37 = vector.multi_reduction <add>, %reduce_sum3A_35, %reduce_sum3A_36 [1, 2] : vector<1x1024x1xf32> to vector<1xf32>
    %reduce_sum3A_38 = vector.shape_cast %reduce_sum3A_37 : vector<1xf32> to vector<1x1x1xf32>
    %reduce_sum3A_39 = vector.extract %reduce_sum3A_38[0, 0, 0] : f32 from vector<1x1x1xf32>
    %reshape3A = vector.broadcast %reduce_sum3A_39 : f32 to vector<1x1xf32>
    %add3A_40 = arith.addf %broadcast_in_dim3A_7, %reshape3A : vector<1x1xf32>
    %get3A_41 = arith.constant 1024 : index
    %get3A_42 = arith.constant 0 : index
    %get3A_43 = vector.load %arg0[%get3A_41, %get3A_42] : memref<4096x256xf32, #tpu.memory_space<vmem>>, vector<1024x256xf32>
    %get3A_44 = arith.constant 0 : index
    %get3A_45 = arith.constant 1024 : index
    %get3A_46 = vector.load %arg2[%get3A_44, %get3A_45] : memref<1x4096xf32, #tpu.memory_space<vmem>>, vector<1x1024xf32>
    %dot_general3A_47 = arith.constant dense<0.000000e+00> : vector<1024x1024xf32>
    %dot_general3A_48 = tpu.matmul %get3A_43, %get3A_1, %dot_general3A_47 {dimension_numbers = #tpu.dot_dimension_numbers<[1], [1], [0], [0], [0, 0, 1, 0], [], []>, transpose_lhs_hint = false} : vector<1024x256xf32>, vector<1024x256xf32>, vector<1024x1024xf32> -> vector<1024x1024xf32>
    %transpose3A_49 = tpu.transpose %get3A_46, [1, 0] : vector<1x1024xf32> -> vector<1024x1xf32>
    %mul3A_50 = arith.constant 2.000000e+00 : f32
    %mul3A_51 = vector.broadcast %mul3A_50 : f32 to vector<1024x1024xf32>
    %mul3A_52 = arith.mulf %mul3A_51, %dot_general3A_48 : vector<1024x1024xf32>
    %sub3A_53 = vector.broadcast %transpose3A_49 : vector<1024x1xf32> to vector<1024x1024xf32>
    %sub3A_54 = arith.subf %sub3A_53, %mul3A_52 : vector<1024x1024xf32>
    %add3A_55 = vector.broadcast %get3A_4 : vector<1x1024xf32> to vector<1024x1024xf32>
    %add3A_56 = arith.addf %sub3A_54, %add3A_55 : vector<1024x1024xf32>
    %reduce_min3A_57 = arith.constant dense<0x7F800000> : vector<1024xf32>
    %reduce_min3A_58 = vector.multi_reduction <minimumf>, %add3A_56, %reduce_min3A_57 [1] : vector<1024x1024xf32> to vector<1024xf32>
    %broadcast_in_dim3A_59 = vector.shape_cast %reduce_min3A_58 : vector<1024xf32> to vector<1024x1xf32>
    %iota3A_60 = tpu.iota {dimensions = array<i32: 1>} : vector<1024x1024xi32>
    %convert_element_type3A_61 = arith.sitofp %iota3A_60 : vector<1024x1024xi32> to vector<1024x1024xf32>
    %eq3A_62 = vector.broadcast %broadcast_in_dim3A_59 : vector<1024x1xf32> to vector<1024x1024xf32>
    %eq3A_63 = arith.cmpf oeq, %add3A_56, %eq3A_62 : vector<1024x1024xf32>
    %jit3A_64 = arith.constant 1.024000e+03 : f32
    %broadcast_in_dim3A_65 = vector.broadcast %jit3A_64 : f32 to vector<1024x1024xf32>
    %select_n3A_66 = arith.select %eq3A_63, %convert_element_type3A_61, %broadcast_in_dim3A_65 : vector<1024x1024xi1>, vector<1024x1024xf32>
    %reduce_min3A_67 = arith.constant dense<0x7F800000> : vector<1024xf32>
    %reduce_min3A_68 = vector.multi_reduction <minimumf>, %select_n3A_66, %reduce_min3A_67 [1] : vector<1024x1024xf32> to vector<1024xf32>
    %convert_element_type3A_69 = arith.fptosi %reduce_min3A_68 : vector<1024xf32> to vector<1024xi32>
    %swap3A_70 = arith.constant 1024 : index
    %swap3A_71 = vector.load %arg4[%swap3A_70] : memref<4096xi32, #tpu.memory_space<vmem>>, vector<1024xi32>
    tpu.vector_store %arg4[%swap3A_70], %convert_element_type3A_69 {strides = array<i32>} : memref<4096xi32, #tpu.memory_space<vmem>>, vector<1024xi32>,
    %broadcast_in_dim3A_72 = vector.shape_cast %reduce_min3A_68 : vector<1024xf32> to vector<1024x1xf32>
    %eq3A_73 = vector.broadcast %broadcast_in_dim3A_72 : vector<1024x1xf32> to vector<1024x1024xf32>
    %eq3A_74 = arith.cmpf oeq, %convert_element_type3A_61, %eq3A_73 : vector<1024x1024xf32>
    %convert_element_type3A_75 = arith.extui %eq3A_74 : vector<1024x1024xi1> to vector<1024x1024xi32>
    %convert_element_type3A_76 = arith.sitofp %convert_element_type3A_75 : vector<1024x1024xi32> to vector<1024x1024xf32>
    %reduce_sum3A_77 = arith.constant dense<0.000000e+00> : vector<1024xf32>
    %reduce_sum3A_78 = vector.multi_reduction <add>, %convert_element_type3A_76, %reduce_sum3A_77 [0] : vector<1024x1024xf32> to vector<1024xf32>
    %broadcast_in_dim3A_79 = vector.shape_cast %reduce_sum3A_78 : vector<1024xf32> to vector<1x1024xf32>
    %add3A_80 = arith.addf %add3A_34, %broadcast_in_dim3A_79 : vector<1x1024xf32>
    %reduce_sum3A_81 = vector.shape_cast %broadcast_in_dim3A_59 : vector<1024x1xf32> to vector<1x1024x1xf32>
    %reduce_sum3A_82 = arith.constant dense<0.000000e+00> : vector<1xf32>
    %reduce_sum3A_83 = vector.multi_reduction <add>, %reduce_sum3A_81, %reduce_sum3A_82 [1, 2] : vector<1x1024x1xf32> to vector<1xf32>
    %reduce_sum3A_84 = vector.shape_cast %reduce_sum3A_83 : vector<1xf32> to vector<1x1x1xf32>
    %reduce_sum3A_85 = vector.extract %reduce_sum3A_84[0, 0, 0] : f32 from vector<1x1x1xf32>
    %reshape3A_86 = vector.broadcast %reduce_sum3A_85 : f32 to vector<1x1xf32>
    %add3A_87 = arith.addf %add3A_40, %reshape3A_86 : vector<1x1xf32>
    %get3A_88 = arith.constant 2048 : index
    %get3A_89 = arith.constant 0 : index
    %get3A_90 = vector.load %arg0[%get3A_88, %get3A_89] : memref<4096x256xf32, #tpu.memory_space<vmem>>, vector<1024x256xf32>
    %get3A_91 = arith.constant 0 : index
    %get3A_92 = arith.constant 2048 : index
    %get3A_93 = vector.load %arg2[%get3A_91, %get3A_92] : memref<1x4096xf32, #tpu.memory_space<vmem>>, vector<1x1024xf32>
    %dot_general3A_94 = arith.constant dense<0.000000e+00> : vector<1024x1024xf32>
    %dot_general3A_95 = tpu.matmul %get3A_90, %get3A_1, %dot_general3A_94 {dimension_numbers = #tpu.dot_dimension_numbers<[1], [1], [0], [0], [0, 0, 1, 0], [], []>, transpose_lhs_hint = false} : vector<1024x256xf32>, vector<1024x256xf32>, vector<1024x1024xf32> -> vector<1024x1024xf32>
    %transpose3A_96 = tpu.transpose %get3A_93, [1, 0] : vector<1x1024xf32> -> vector<1024x1xf32>
    %mul3A_97 = arith.constant 2.000000e+00 : f32
    %mul3A_98 = vector.broadcast %mul3A_97 : f32 to vector<1024x1024xf32>
    %mul3A_99 = arith.mulf %mul3A_98, %dot_general3A_95 : vector<1024x1024xf32>
    %sub3A_100 = vector.broadcast %transpose3A_96 : vector<1024x1xf32> to vector<1024x1024xf32>
    %sub3A_101 = arith.subf %sub3A_100, %mul3A_99 : vector<1024x1024xf32>
    %add3A_102 = vector.broadcast %get3A_4 : vector<1x1024xf32> to vector<1024x1024xf32>
    %add3A_103 = arith.addf %sub3A_101, %add3A_102 : vector<1024x1024xf32>
    %reduce_min3A_104 = arith.constant dense<0x7F800000> : vector<1024xf32>
    %reduce_min3A_105 = vector.multi_reduction <minimumf>, %add3A_103, %reduce_min3A_104 [1] : vector<1024x1024xf32> to vector<1024xf32>
    %broadcast_in_dim3A_106 = vector.shape_cast %reduce_min3A_105 : vector<1024xf32> to vector<1024x1xf32>
    %iota3A_107 = tpu.iota {dimensions = array<i32: 1>} : vector<1024x1024xi32>
    %convert_element_type3A_108 = arith.sitofp %iota3A_107 : vector<1024x1024xi32> to vector<1024x1024xf32>
    %eq3A_109 = vector.broadcast %broadcast_in_dim3A_106 : vector<1024x1xf32> to vector<1024x1024xf32>
    %eq3A_110 = arith.cmpf oeq, %add3A_103, %eq3A_109 : vector<1024x1024xf32>
    %jit3A_111 = arith.constant 1.024000e+03 : f32
    %broadcast_in_dim3A_112 = vector.broadcast %jit3A_111 : f32 to vector<1024x1024xf32>
    %select_n3A_113 = arith.select %eq3A_110, %convert_element_type3A_108, %broadcast_in_dim3A_112 : vector<1024x1024xi1>, vector<1024x1024xf32>
    %reduce_min3A_114 = arith.constant dense<0x7F800000> : vector<1024xf32>
    %reduce_min3A_115 = vector.multi_reduction <minimumf>, %select_n3A_113, %reduce_min3A_114 [1] : vector<1024x1024xf32> to vector<1024xf32>
    %convert_element_type3A_116 = arith.fptosi %reduce_min3A_115 : vector<1024xf32> to vector<1024xi32>
    %swap3A_117 = arith.constant 2048 : index
    %swap3A_118 = vector.load %arg4[%swap3A_117] : memref<4096xi32, #tpu.memory_space<vmem>>, vector<1024xi32>
    tpu.vector_store %arg4[%swap3A_117], %convert_element_type3A_116 {strides = array<i32>} : memref<4096xi32, #tpu.memory_space<vmem>>, vector<1024xi32>,
    %broadcast_in_dim3A_119 = vector.shape_cast %reduce_min3A_115 : vector<1024xf32> to vector<1024x1xf32>
    %eq3A_120 = vector.broadcast %broadcast_in_dim3A_119 : vector<1024x1xf32> to vector<1024x1024xf32>
    %eq3A_121 = arith.cmpf oeq, %convert_element_type3A_108, %eq3A_120 : vector<1024x1024xf32>
    %convert_element_type3A_122 = arith.extui %eq3A_121 : vector<1024x1024xi1> to vector<1024x1024xi32>
    %convert_element_type3A_123 = arith.sitofp %convert_element_type3A_122 : vector<1024x1024xi32> to vector<1024x1024xf32>
    %reduce_sum3A_124 = arith.constant dense<0.000000e+00> : vector<1024xf32>
    %reduce_sum3A_125 = vector.multi_reduction <add>, %convert_element_type3A_123, %reduce_sum3A_124 [0] : vector<1024x1024xf32> to vector<1024xf32>
    %broadcast_in_dim3A_126 = vector.shape_cast %reduce_sum3A_125 : vector<1024xf32> to vector<1x1024xf32>
    %add3A_127 = arith.addf %add3A_80, %broadcast_in_dim3A_126 : vector<1x1024xf32>
    %reduce_sum3A_128 = vector.shape_cast %broadcast_in_dim3A_106 : vector<1024x1xf32> to vector<1x1024x1xf32>
    %reduce_sum3A_129 = arith.constant dense<0.000000e+00> : vector<1xf32>
    %reduce_sum3A_130 = vector.multi_reduction <add>, %reduce_sum3A_128, %reduce_sum3A_129 [1, 2] : vector<1x1024x1xf32> to vector<1xf32>
    %reduce_sum3A_131 = vector.shape_cast %reduce_sum3A_130 : vector<1xf32> to vector<1x1x1xf32>
    %reduce_sum3A_132 = vector.extract %reduce_sum3A_131[0, 0, 0] : f32 from vector<1x1x1xf32>
    %reshape3A_133 = vector.broadcast %reduce_sum3A_132 : f32 to vector<1x1xf32>
    %add3A_134 = arith.addf %add3A_87, %reshape3A_133 : vector<1x1xf32>
    %get3A_135 = arith.constant 3072 : index
    %get3A_136 = arith.constant 0 : index
    %get3A_137 = vector.load %arg0[%get3A_135, %get3A_136] : memref<4096x256xf32, #tpu.memory_space<vmem>>, vector<1024x256xf32>
    %get3A_138 = arith.constant 0 : index
    %get3A_139 = arith.constant 3072 : index
    %get3A_140 = vector.load %arg2[%get3A_138, %get3A_139] : memref<1x4096xf32, #tpu.memory_space<vmem>>, vector<1x1024xf32>
    %dot_general3A_141 = arith.constant dense<0.000000e+00> : vector<1024x1024xf32>
    %dot_general3A_142 = tpu.matmul %get3A_137, %get3A_1, %dot_general3A_141 {dimension_numbers = #tpu.dot_dimension_numbers<[1], [1], [0], [0], [0, 0, 1, 0], [], []>, transpose_lhs_hint = false} : vector<1024x256xf32>, vector<1024x256xf32>, vector<1024x1024xf32> -> vector<1024x1024xf32>
    %transpose3A_143 = tpu.transpose %get3A_140, [1, 0] : vector<1x1024xf32> -> vector<1024x1xf32>
    %mul3A_144 = arith.constant 2.000000e+00 : f32
    %mul3A_145 = vector.broadcast %mul3A_144 : f32 to vector<1024x1024xf32>
    %mul3A_146 = arith.mulf %mul3A_145, %dot_general3A_142 : vector<1024x1024xf32>
    %sub3A_147 = vector.broadcast %transpose3A_143 : vector<1024x1xf32> to vector<1024x1024xf32>
    %sub3A_148 = arith.subf %sub3A_147, %mul3A_146 : vector<1024x1024xf32>
    %add3A_149 = vector.broadcast %get3A_4 : vector<1x1024xf32> to vector<1024x1024xf32>
    %add3A_150 = arith.addf %sub3A_148, %add3A_149 : vector<1024x1024xf32>
    %reduce_min3A_151 = arith.constant dense<0x7F800000> : vector<1024xf32>
    %reduce_min3A_152 = vector.multi_reduction <minimumf>, %add3A_150, %reduce_min3A_151 [1] : vector<1024x1024xf32> to vector<1024xf32>
    %broadcast_in_dim3A_153 = vector.shape_cast %reduce_min3A_152 : vector<1024xf32> to vector<1024x1xf32>
    %iota3A_154 = tpu.iota {dimensions = array<i32: 1>} : vector<1024x1024xi32>
    %convert_element_type3A_155 = arith.sitofp %iota3A_154 : vector<1024x1024xi32> to vector<1024x1024xf32>
    %eq3A_156 = vector.broadcast %broadcast_in_dim3A_153 : vector<1024x1xf32> to vector<1024x1024xf32>
    %eq3A_157 = arith.cmpf oeq, %add3A_150, %eq3A_156 : vector<1024x1024xf32>
    %jit3A_158 = arith.constant 1.024000e+03 : f32
    %broadcast_in_dim3A_159 = vector.broadcast %jit3A_158 : f32 to vector<1024x1024xf32>
    %select_n3A_160 = arith.select %eq3A_157, %convert_element_type3A_155, %broadcast_in_dim3A_159 : vector<1024x1024xi1>, vector<1024x1024xf32>
    %reduce_min3A_161 = arith.constant dense<0x7F800000> : vector<1024xf32>
    %reduce_min3A_162 = vector.multi_reduction <minimumf>, %select_n3A_160, %reduce_min3A_161 [1] : vector<1024x1024xf32> to vector<1024xf32>
    %convert_element_type3A_163 = arith.fptosi %reduce_min3A_162 : vector<1024xf32> to vector<1024xi32>
    %swap3A_164 = arith.constant 3072 : index
    %swap3A_165 = vector.load %arg4[%swap3A_164] : memref<4096xi32, #tpu.memory_space<vmem>>, vector<1024xi32>
    tpu.vector_store %arg4[%swap3A_164], %convert_element_type3A_163 {strides = array<i32>} : memref<4096xi32, #tpu.memory_space<vmem>>, vector<1024xi32>,
    %broadcast_in_dim3A_166 = vector.shape_cast %reduce_min3A_162 : vector<1024xf32> to vector<1024x1xf32>
    %eq3A_167 = vector.broadcast %broadcast_in_dim3A_166 : vector<1024x1xf32> to vector<1024x1024xf32>
    %eq3A_168 = arith.cmpf oeq, %convert_element_type3A_155, %eq3A_167 : vector<1024x1024xf32>
    %convert_element_type3A_169 = arith.extui %eq3A_168 : vector<1024x1024xi1> to vector<1024x1024xi32>
    %convert_element_type3A_170 = arith.sitofp %convert_element_type3A_169 : vector<1024x1024xi32> to vector<1024x1024xf32>
    %reduce_sum3A_171 = arith.constant dense<0.000000e+00> : vector<1024xf32>
    %reduce_sum3A_172 = vector.multi_reduction <add>, %convert_element_type3A_170, %reduce_sum3A_171 [0] : vector<1024x1024xf32> to vector<1024xf32>
    %broadcast_in_dim3A_173 = vector.shape_cast %reduce_sum3A_172 : vector<1024xf32> to vector<1x1024xf32>
    %add3A_174 = arith.addf %add3A_127, %broadcast_in_dim3A_173 : vector<1x1024xf32>
    %reduce_sum3A_175 = vector.shape_cast %broadcast_in_dim3A_153 : vector<1024x1xf32> to vector<1x1024x1xf32>
    %reduce_sum3A_176 = arith.constant dense<0.000000e+00> : vector<1xf32>
    %reduce_sum3A_177 = vector.multi_reduction <add>, %reduce_sum3A_175, %reduce_sum3A_176 [1, 2] : vector<1x1024x1xf32> to vector<1xf32>
    %reduce_sum3A_178 = vector.shape_cast %reduce_sum3A_177 : vector<1xf32> to vector<1x1x1xf32>
    %reduce_sum3A_179 = vector.extract %reduce_sum3A_178[0, 0, 0] : f32 from vector<1x1x1xf32>
    %reshape3A_180 = vector.broadcast %reduce_sum3A_179 : f32 to vector<1x1xf32>
    %add3A_181 = arith.addf %add3A_134, %reshape3A_180 : vector<1x1xf32>
    %div3A = arith.constant 4.096000e+03 : f32
    %div3A_182 = vector.broadcast %div3A : f32 to vector<1x1024xf32>
    %div3A_183 = arith.divf %add3A_174, %div3A_182 : vector<1x1024xf32>
    %add3A_184 = arith.constant 1.000000e-07 : f32
    %add3A_185 = vector.broadcast %add3A_184 : f32 to vector<1x1024xf32>
    %add3A_186 = arith.addf %div3A_183, %add3A_185 : vector<1x1024xf32>
    %log3A = math.log %add3A_186 : vector<1x1024xf32>
    %mul3A_187 = arith.mulf %div3A_183, %log3A : vector<1x1024xf32>
    %reduce_sum3A_188 = vector.shape_cast %mul3A_187 : vector<1x1024xf32> to vector<1x1x1024xf32>
    %reduce_sum3A_189 = arith.constant dense<0.000000e+00> : vector<1xf32>
    %reduce_sum3A_190 = vector.multi_reduction <add>, %reduce_sum3A_188, %reduce_sum3A_189 [1, 2] : vector<1x1x1024xf32> to vector<1xf32>
    %reduce_sum3A_191 = vector.shape_cast %reduce_sum3A_190 : vector<1xf32> to vector<1x1x1xf32>
    %reduce_sum3A_192 = vector.extract %reduce_sum3A_191[0, 0, 0] : f32 from vector<1x1x1xf32>
    %neg3A = arith.constant 0.000000e+00 : f32
    %neg3A_193 = arith.subf %neg3A, %reduce_sum3A_192 : f32
    %exp3A = math.exp %neg3A_193 : f32
    %reshape3A_194 = vector.broadcast %exp3A : f32 to vector<1x1xf32>
    %swap3A_195 = arith.constant 0 : index
    %swap3A_196 = arith.constant 0 : index
    %swap3A_197 = vector.load %arg6[%swap3A_195, %swap3A_196] : memref<1x1xf32, #tpu.memory_space<vmem>>, vector<1x1xf32>
    tpu.vector_store %arg6[%swap3A_195, %swap3A_196], %reshape3A_194 {strides = array<i32>} : memref<1x1xf32, #tpu.memory_space<vmem>>, vector<1x1xf32>,
    %div3A_198 = arith.constant 0x49800000 : f32
    %div3A_199 = vector.broadcast %div3A_198 : f32 to vector<1x1xf32>
    %div3A_200 = arith.divf %add3A_181, %div3A_199 : vector<1x1xf32>
    %swap3A_201 = arith.constant 0 : index
    %swap3A_202 = arith.constant 0 : index
    %swap3A_203 = vector.load %arg5[%swap3A_201, %swap3A_202] : memref<1x1xf32, #tpu.memory_space<vmem>>, vector<1x1xf32>
    tpu.vector_store %arg5[%swap3A_201, %swap3A_202], %div3A_200 {strides = array<i32>} : memref<1x1xf32, #tpu.memory_space<vmem>>, vector<1x1xf32>,
    return
  }
}

</mosaic_0001>

<sc_bundles>
// kernel: kernel.14.cloned.1.call-start
scs
__scs_entry_jumppad:
0x0: {  	(pc) =	sbr.rel $0x88, $3  }
0x1: {  	(tag) =	ssettag $0x0;
	lr =	simm.s32 $0x1  }
0x2: {  	[smem:$0x3F9F] =	sst lr;
	_ =	strace $0xD0000000  }
0x3: {  	_ = 	snop  }
0x4: {  	_ = 	snop  }
0x5: {  	_ = 	snop  }
0x6: {  	_ = 	snop  }
0x7: {  	_ = 	snop  }
__scs_overlays_trampoline_lowered:
0x8: {  	[smem:$0x3FAE] =	sst s0  }
0x9: {  	[smem:$0x3FAF] =	sst s1  }
0xa: {  	[smem:$0x3FB0] =	sst s2  }
0xb: {  	[smem:$0x3FB1] =	sst s3  }
0xc: {  	[smem:$0x3FB2] =	sst s4  }
0xd: {  	[smem:$0x3FB3] =	sst s5  }
0xe: {  	[smem:$0x3FB4] =	sst s6  }
0xf: {  	[smem:$0x3FB5] =	sst s7  }
0x10: {  	[smem:$0x3FB6] =	sst s8  }
0x11: {  	[smem:$0x3FB7] =	sst s9;
	s0 =	simm.s32 @!p0 $0x0  }
0x12: {  	s1 =	sld [smem:$0x3F9D];
	s0 =	simm.s32 @p0 $0x1  }
0x13: {  	[smem:$0x3FB8] =	sst s0;
	s0 =	simm.s32 @!p1 $0x0  }
0x14: {  	s2 =	sld [smem:$0x3F9C];
	s0 =	simm.s32 @p1 $0x1  }
0x15: {  	[smem:$0x3FB9] =	sst s0;
	s0 =	simm.s32 @!p2 $0x0  }
0x16: {  	s3 =	sld [smem:$0x3FDB];
	s0 =	simm.s32 @p2 $0x1  }
0x17: {  	s4 =	simm.s32 $0x1BF5;
	[smem:$0x3FBB] =	sst s0  }
0x18: {  	s0 =	sld [smem:$0x3F9E];
	_ =	swait.ge [sflag:s4], $0x0  }
0x19: {  	s7 =	sld [smem:$0x3F9F]  }
0x1a: {  	s8 =	sadd.s32 $0xFFFFE003, lr  }
0x1b: {  	s9 =	sadd.s32 $0xFFFFFEF7, lr;
	s5 =	simm.s32 $0xFFFFFFFF;
	p2 =	slt.u32 s8, $0xFFFFF086  }
0x1c: {  	p1 =	slt.u32 s9, $0xF7A;
	s5 =	simm.s32 @!p2 $0x0  }
0x1d: {  	s5 =	simm.s32 @p1 $0x1;
	p0 =	seq.s32 s7, s2  }
0x1e: {  	s7 =	smul.u32 @!p0 $0xF7A, s2;
	p2 =	seq.s32 @!p0 s5, $0x0  }
0x1f: {  	s9 =	smul.u32 $0xF7A, s1;
	s8 =	simm.s32 @!p0 $0x1BF5;
	p2 =	por !p2, p0  }
0x20: {  	[sflag:s8] =	ssyncset.s32 @!p0 $0xFFFFF086;
	s6 =	sadd.s32 @!p0 s3, s7;
	s7 =	simm.s32 @!p0 $0x108  }
0x21: {  	s3 =	sadd.s32 s3, s9;
	s6 =	sadd.s32 @!p0 $0x88, s6;
	s7 =	simm.s32 @p2 $0x1082  }
0x22: {  	[simem:s7], [sflag:s8] =	dma.local @!p0 [hbm:s6], $0xF7A  }
0x23: {  	s9 =	sor.u32 $0xD0000000, s2;
	s6 =	simm.s32 $0x108;
	_ =	swait.ge @!p0 [sflag:s8], $0x0  }
0x24: {  	s3 =	sadd.s32 $0x88, s3;
	s6 =	simm.s32 @!p1 $0x1082;
	[sflag:s4] =	ssyncset.s32 $0xFFFFF086  }
0x25: {  	[simem:s6], [sflag:s4] =	dma.local [hbm:s3], $0xF7A  }
0x26: {  	[smem:$0x3F9F] =	sst s1;
	(tag) =	ssettag s2;
	_ =	strace s9  }
0x27: {  	s1 =	sld [smem:$0x3FAF]  }
0x28: {  	s2 =	sld [smem:$0x3FB0]  }
0x29: {  	s4 =	sld [smem:$0x3FB2]  }
0x2a: {  	p0 =	seq.s32 s5, $0x0;
	s5 =	sld [smem:$0x3FB3]  }
0x2b: {  	s6 =	sld [smem:$0x3FB4]  }
0x2c: {  	s7 =	sld [smem:$0x3FB5]  }
0x2d: {  	s3 =	simm.s32 $0x108;
	s8 =	sld [smem:$0x3FB6]  }
0x2e: {  	s3 =	simm.s32 @!p0 $0x1082;
	s9 =	sld [smem:$0x3FB7]  }
0x2f: {  	lr =	sadd.s32 s0, s3;
	s0 =	sld [smem:$0x3FAE]  }
0x30: {  	s3 =	sld [smem:$0x3FB1]  }
0x31: {  	[smem:$0x3FBA] =	sst s10  }
0x32: {  	s10 =	sld [smem:$0x3FB8];
	_ =	sdelay $0x3  }
0x33: {  	p0 =	seq.s32 s10, $0x1;
	s10 =	sld [smem:$0x3FBA];
	_ =	sdelay $0x3  }
0x34: {  	[smem:$0x3FBA] =	sst s10  }
0x35: {  	s10 =	sld [smem:$0x3FB9];
	_ =	sdelay $0x3  }
0x36: {  	p1 =	seq.s32 s10, $0x1;
	s10 =	sld [smem:$0x3FBA];
	_ =	sdelay $0x3  }
0x37: {  	[smem:$0x3FBA] =	sst s10  }
0x38: {  	s10 =	sld [smem:$0x3FBB]  }
0x39: {  	_ = 	snop;
	(pc) =	sbr.ind lr, $3  }
0x3a: {  	_ = 	snop  }
0x3b: {  	_ = 	snop  }
0x3c: {  	p2 =	seq.s32 s10, $0x1;
	s10 =	sld [smem:$0x3FBA]  }
0x3d: {  	_ =	shalt  }
0x3e: {  	_ =	shalt  }
0x3f: {  	_ =	shalt  }
0x40: {  	_ =	shalt  }
0x41: {  	_ =	shalt  }
0x42: {  	_ =	shalt  }
0x43: {  	_ =	shalt  }
0x44: {  	_ =	shalt  }
0x45: {  	_ =	shalt  }
0x46: {  	_ =	shalt  }
0x47: {  	_ =	shalt  }
0x48: {  	_ =	shalt  }
0x49: {  	_ =	shalt  }
0x4a: {  	_ =	shalt  }
0x4b: {  	_ =	shalt  }
0x4c: {  	_ =	shalt  }
0x4d: {  	_ =	shalt  }
0x4e: {  	_ =	shalt  }
0x4f: {  	_ =	shalt  }
0x50: {  	_ =	shalt  }
0x51: {  	_ =	shalt  }
0x52: {  	_ =	shalt  }
0x53: {  	_ =	shalt  }
0x54: {  	_ =	shalt  }
0x55: {  	_ =	shalt  }
0x56: {  	_ =	shalt  }
0x57: {  	_ =	shalt  }
0x58: {  	_ =	shalt  }
0x59: {  	_ =	shalt  }
0x5a: {  	_ =	shalt  }
0x5b: {  	_ =	shalt  }
0x5c: {  	_ =	shalt  }
0x5d: {  	_ =	shalt  }
0x5e: {  	_ =	shalt  }
0x5f: {  	_ =	shalt  }
0x60: {  	_ =	shalt  }
0x61: {  	_ =	shalt  }
0x62: {  	_ =	shalt  }
0x63: {  	_ =	shalt  }
0x64: {  	_ =	shalt  }
0x65: {  	_ =	shalt  }
0x66: {  	_ =	shalt  }
0x67: {  	_ =	shalt  }
0x68: {  	_ =	shalt  }
0x69: {  	_ =	shalt  }
0x6a: {  	_ =	shalt  }
0x6b: {  	_ =	shalt  }
0x6c: {  	_ =	shalt  }
0x6d: {  	_ =	shalt  }
0x6e: {  	_ =	shalt  }
0x6f: {  	_ =	shalt  }
0x70: {  	_ =	shalt  }
0x71: {  	_ =	shalt  }
0x72: {  	_ =	shalt  }
0x73: {  	_ =	shalt  }
0x74: {  	_ =	shalt  }
0x75: {  	_ =	shalt  }
0x76: {  	_ =	shalt  }
0x77: {  	_ =	shalt  }
0x78: {  	_ =	shalt  }
0x79: {  	_ =	shalt  }
0x7a: {  	_ =	shalt  }
0x7b: {  	_ =	shalt  }
0x7c: {  	_ =	shalt  }
0x7d: {  	_ =	shalt  }
0x7e: {  	_ =	shalt  }
0x7f: {  	_ =	shalt  }
0x80: {  	_ =	shalt  }
0x81: {  	_ =	shalt  }
0x82: {  	_ =	shalt  }
0x83: {  	_ =	shalt  }
0x84: {  	_ =	shalt  }
0x85: {  	_ =	shalt  }
0x86: {  	_ =	shalt  }
0x87: {  	_ =	shalt  }
.Lfunc_end0:
.L_simem_size_0:
called_computation_lowered:
.L_overlay_start_0:
0x88: {  	s2 =	sld [smem:$0x3FD9]  }
0x89: {  	s3 =	sld [smem:$0x3FFE];
	_ =	sdelay $0x1  }
0x8a: {  	s1 =	srdreg.scid  }
0x8b: {  	s0 =	sand.u32 $0x1, s1  }
0x8c: {  	s14 =	sshll.u32 s0, $0xA;
	s2 =	sadd.s32 s3, s2  }
0x8d: {  	s2 =	sadd.s32 s2, s14  }
0x8e: {  	[smem:$0x3FC6] =	sst s2  }
0x8f: {  	_ = 	snop  }
0x90: {  	s2 =	sld [smem:$0x3FD0];
	_ =	sdelay $0x2  }
0x91: {  	s15 =	simm.s32 $0xA;
	s4 =	simm.s32 $0x10  }
0x92: {  	[smem:s4], [sflag:s15] =	dma.local [hbm:s2], $0x1  }
0x93: {  	_ =	swait.eq [sflag:s15], $0x1  }
0x94: {  	[sflag:s15] =	ssyncset.done $0x0  }
0x95: {  	s16 =	sld [smem:$0x10];
	[sflag:s15] =	ssyncadd.s32 $0xFFFFFFFF  }
0x96: {  	s17 =	sld [smem:$0x11];
	(tm) =	ssettm $0x1  }
0x97: {  	s18 =	sld [smem:$0x3FFB];
	_ =	sdelay $0x3  }
0x98: {  	_ =	strace s18  }
0x99: {  	s4 =	sld [smem:$0x3FFC];
	_ =	sdelay $0x3  }
0x9a: {  	_ =	strace s4  }
0x9b: {  	s4 =	sld [smem:$0x3FFD];
	_ =	sdelay $0x3  }
0x9c: {  	_ =	strace s4  }
0x9d: {  	_ =	strace $0x8FFFFFFF  }
0x9e: {  	s19 =	sld [smem:$0x3FDB];
	_ =	sdelay $0x1  }
0x9f: {  	s5 =	simm.s32 $_scs_section_size  }
0xa0: {  	s6 =	simm.s32 $_size__tile_overlayer_lowered;
	s7 =	simm.s32 $_tile_overlayer_lowered  }
0xa1: {  	s22 =	simm.s32 $0x1BFF;
	s21 =	sshll.u32 s7, $0x1;
	s4 =	sadd.s32 s5, s19  }
0xa2: {  	s8 =	simm.s32 $0x0;
	s20 =	sshll.u32 s6, $0x1;
	s6 =	sadd.s32 s21, s4  }
0xa3: {  	[timem:s8], [sflag:s22] =	dma.local [hbm:s6], s20  }
0xa4: {  	_ =	swait.ge [sflag:s22], s20  }
0xa5: {  	s5 =	ssub.s32 $0x0, s20;
	[sflag:s22] =	ssyncset.done $0x0  }
0xa6: {  	[sflag:s22] =	ssyncadd.s32 s5;
	_ =	sdelay $0x1  }
0xa7: {  	s23 =	simm.s32 $0x1B8B  }
0xa8: {  	_ =	swait.ge [sflag:s23], $0x1  }
0xa9: {  	[sflag:s23] =	ssyncset.done $0x0  }
0xaa: {  	s25 =	simm.s32 $0x1B8E;
	s24 =	sld [smem:$0x3FFE];
	[sflag:s23] =	ssyncadd.s32 $0xFFFFFFFF  }
0xab: {  	s26 =	simm.s32 $execute0_lowered;
	[smem:$0x3FD2] =	sst s25  }
0xac: {  	s6 =	sshll.u32 s26, $0x1;
	_ =	strace $0x80000046;
	[dreg:$0x1] =	wrdreg $0xFFFFFFFF  }
0xad: {  	s28 =	simm.s32 $_size_execute0_lowered;
	s4 =	sadd.s32 s4, s6;
	[dreg:$0x0] =	wrdreg $0x0  }
0xae: {  	s6 =	sshll.u32 s28, $0x1;
	[dreg:$0x2] =	wrdreg s4  }
0xaf: {  	[dreg:$0x3] =	wrdreg s6  }
0xb0: {  	[dreg:$0x4] =	wrdreg $0xC0  }
0xb1: {  	_ =	task [dreg:s8], $0x5FFFF  }
0xb2: {  	[dreg:$0x1] =	wrdreg $0xFFFFFFFF  }
0xb3: {  	[dreg:$0x0] =	wrdreg $0x60  }
0xb4: {  	[dreg:$0x2] =	wrdreg s24  }
0xb5: {  	[dreg:$0x3] =	wrdreg s17  }
0xb6: {  	[dreg:$0x4] =	wrdreg s16  }
0xb7: {  	[dreg:$0x5] =	wrdreg $0x9  }
0xb8: {  	_ =	task.clear_ibuf [dreg:s8], $0x6FFFF;
	_ =	strace $0x90000046  }
0xb9: {  	s29 =	simm.s32 $0x9;
	_ =	strace $0x80000048  }
0xba: {  	_ =	swait.ge [sflag:s29], $0x1  }
0xbb: {  	[sflag:s29] =	ssyncadd.s32 $0xFFFFFFFF  }
0xbc: {  	_ =	strace $0x90000048  }
0xbd: {  	_ =	sfence  }
0xbe: {  	s30 =	sld [smem:$0x0];
	_ =	sdelay $0x2  }
0xbf: {  	s31 =	sshll.u32 s1, $0xD;
	s1 =	sshrl.u32 s1, $0x2  }
0xc0: {  	s3 =	sand.u32 $0x4000, s31;
	s1 =	sadd.s32 s1, s30  }
0xc1: {  	s0 =	sor.u32 s3, s0;
	s1 =	sshll.u32 s1, $0x11  }
0xc2: {  	s0 =	sor.u32 s1, s0  }
0xc3: {  	s0 =	sadd.s32 $0x8F2B, s0  }
0xc4: {  	[sflag:s0] =	ssyncadd.remote.s32 $0x1  }
0xc5: {  	_ =	sfence.sel $0xFFFF  }
0xc6: {  	[dreg:$0x0] =	wrdreg $0xFFFFFFFF;
	(pc) =	sbr.abs _section_cstart, $3  }
0xc7: {  	[dreg:$0x1] =	wrdreg $0xFFFFFFFF  }
0xc8: {  	_ =	task.clear_ibuf [dreg:s8], $0x2FFFF;
	_ =	strace $0x9FFFFFFF  }
0xc9: {  	(tm) =	ssettm $0x7FFFFFFF  }
tec
execute0_lowered:
.L_overlay_start_1:
0x0: {  	(tag) =	ssettag $0x1  }
0x1: {  	s3 =	rddreg [dreg:$0x0]  }
0x2: {  	s4 =	rddreg [dreg:$0x1]  }
0x3: {  	s5 =	rddreg [dreg:$0x2]  }
0x4: {  	s0 =	rddreg [dreg:$0x3]  }
0x5: {  	s2 =	simm.s32 $0x0;
	s6 =	srdreg.scid;
	s1 =	stileid.u32  }
0x6: {  	s10 =	simm.s32 $0x1080;
	s11 =	simm.s32 $0x1880;
	s12 =	simm.s32 $0x2080  }
0x7: {  	s13 =	simm.s32 $0x2880;
	s14 =	simm.s32 $0x3080;
	s15 =	simm.s32 $0x3880  }
0x8: {  	s16 =	simm.s32 $0x4080;
	s17 =	simm.s32 $0x4880;
	s18 =	simm.s32 $0x5080  }
0x9: {  	s19 =	simm.s32 $0x5880;
	s20 =	simm.s32 $0x6080;
	s21 =	simm.s32 $0x6880  }
0xa: {  	s22 =	simm.s32 $0x7080;
	s23 =	simm.s32 $0x7880;
	s24 =	simm.s32 $0x1  }
0xb: {  	[smem:$0x7FF] =	sst s2;
	s6 =	sand.u32 $0x1, s6;
	s8 =	sshll.u32 s1, $0x8  }
0xc: {  	s3 =	sadd.s32 $0x3A00, s3;
	s7 =	ssub.s32 $0x2, s6;
	s6 =	sshll.u32 s6, $0x7  }
0xd: {  	_ =	strace $0x80000047;
	s9 =	sshrl.u32 s7, $0x1;
	s6 =	sor.u32 s6, s8  }
0xe: {  	v2 =	vlaneseq.u32;
	s7 =	ssub.s32 s7, s9;
	s8 =	sshrl.u32 s6, $0x3;
	s6 =	sshll.u32 s6, $0x5  }
0xf: {  	vm0 =	vmmov $0xffff;
	v1 =	vshrl.u32 v2, $0x3;
	s9 =	simm.s32 $0x880;
	s4 =	sadd.s32 s4, s8;
	s5 =	sadd.s32 s5, s6  }
0x10: {  	v0 =	vand.u32 $0x7, v2;
	v2 =	vor.u32 $0x8, v2;
	v1 =	vmul.u32 $0x8, v1;
	s6 =	smax.u32 s7, $0x1;
	s7 =	simm.s32 $0x2;
	s8 =	simm.s32 $0x80  }
.LBB2_1:
0x11: {  	[tilespmem:s2], [sflag:$0x2] =	stream.linear.gather [hbm4b:s4+s2], $0x80, $0x38;
	[tilespmem:$0x8080] =	vst v63  }
0x12: {  	_ =	swait.ge [sflag:s7], $0x80  }
0x13: {  	[sflag:s7] =	ssyncset.done $0x0  }
0x14: {  	[sflag:s7] =	ssyncadd.s32 $0xFFFFFF80  }
0x15: {  	v3 =	vld [tilespmem:$0x0];
	_ =	sdelay $0x4  }
0x16: {  	v4 =	vshll.u32 v3, $0x1  }
0x17: {  	v3 =	vand.u32 $0x7, v3;
	v4 =	vand.u32 $0xFFFFFFF0, v4  }
0x18: {  	v3 =	vor.u32 v3, v4  }
0x19: {  	v4 =	vperm.xlane v3, v0;
	_ =	sdelay $0x1  }
0x1a: {  	v3 =	vperm.xlane v3, v2;
	v4 =	vadd.s32 v1, v4;
	_ =	sdelay $0x1  }
0x1b: {  	v3 =	vadd.s32 v1, v3;
	_ =	sdelay $0x2  }
0x1c: {  	[tilespmem:s8], [sflag:$0x1] =	stream.indirect_vreg.gather [hbm4b:s3+s2], $0x80, v4, vm0, $0xb8;
	[tilespmem:$0x8080] =	vst v63  }
0x1d: {  	_ = 	snop  }
0x1e: {  	[tilespmem:s9], [sflag:$0x1] =	stream.indirect_vreg.gather [hbm4b:s3+s2], $0x80, v3, vm0, $0xb8;
	[tilespmem:$0x8080] =	vst v63  }
0x1f: {  	v3 =	vld [tilespmem:$0x10];
	_ =	sdelay $0x4  }
0x20: {  	v57 =	vshll.u32 v3, $0x1  }
0x21: {  	v3 =	vand.u32 $0x7, v3;
	v4 =	vand.u32 $0xFFFFFFF0, v57  }
0x22: {  	v3 =	vor.u32 v3, v4  }
0x23: {  	v4 =	vperm.xlane v3, v0;
	_ =	sdelay $0x1  }
0x24: {  	v3 =	vperm.xlane v3, v2;
	v4 =	vadd.s32 v1, v4;
	_ =	sdelay $0x1  }
0x25: {  	v3 =	vadd.s32 v1, v3;
	_ =	sdelay $0x2  }
0x26: {  	[tilespmem:s10], [sflag:$0x1] =	stream.indirect_vreg.gather [hbm4b:s3+s2], $0x80, v4, vm0, $0xb8;
	[tilespmem:$0x8080] =	vst v63  }
0x27: {  	_ = 	snop  }
0x28: {  	[tilespmem:s11], [sflag:$0x1] =	stream.indirect_vreg.gather [hbm4b:s3+s2], $0x80, v3, vm0, $0xb8;
	[tilespmem:$0x8080] =	vst v63  }
0x29: {  	v3 =	vld [tilespmem:$0x20];
	_ =	sdelay $0x4  }
0x2a: {  	v58 =	vshll.u32 v3, $0x1  }
0x2b: {  	v3 =	vand.u32 $0x7, v3;
	v4 =	vand.u32 $0xFFFFFFF0, v58  }
0x2c: {  	v3 =	vor.u32 v3, v4  }
0x2d: {  	v4 =	vperm.xlane v3, v0;
	_ =	sdelay $0x1  }
0x2e: {  	v3 =	vperm.xlane v3, v2;
	v4 =	vadd.s32 v1, v4;
	_ =	sdelay $0x1  }
0x2f: {  	v3 =	vadd.s32 v1, v3;
	_ =	sdelay $0x2  }
0x30: {  	[tilespmem:s12], [sflag:$0x1] =	stream.indirect_vreg.gather [hbm4b:s3+s2], $0x80, v4, vm0, $0xb8;
	[tilespmem:$0x8080] =	vst v63  }
0x31: {  	_ = 	snop  }
0x32: {  	[tilespmem:s13], [sflag:$0x1] =	stream.indirect_vreg.gather [hbm4b:s3+s2], $0x80, v3, vm0, $0xb8;
	[tilespmem:$0x8080] =	vst v63  }
0x33: {  	v3 =	vld [tilespmem:$0x30];
	_ =	sdelay $0x4  }
0x34: {  	v59 =	vshll.u32 v3, $0x1  }
0x35: {  	v3 =	vand.u32 $0x7, v3;
	v4 =	vand.u32 $0xFFFFFFF0, v59  }
0x36: {  	v3 =	vor.u32 v3, v4  }
0x37: {  	v4 =	vperm.xlane v3, v0;
	_ =	sdelay $0x1  }
0x38: {  	v3 =	vperm.xlane v3, v2;
	v4 =	vadd.s32 v1, v4;
	_ =	sdelay $0x1  }
0x39: {  	v3 =	vadd.s32 v1, v3;
	_ =	sdelay $0x2  }
0x3a: {  	[tilespmem:s14], [sflag:$0x1] =	stream.indirect_vreg.gather [hbm4b:s3+s2], $0x80, v4, vm0, $0xb8;
	[tilespmem:$0x8080] =	vst v63  }
0x3b: {  	_ = 	snop  }
0x3c: {  	[tilespmem:s15], [sflag:$0x1] =	stream.indirect_vreg.gather [hbm4b:s3+s2], $0x80, v3, vm0, $0xb8;
	[tilespmem:$0x8080] =	vst v63  }
0x3d: {  	v3 =	vld [tilespmem:$0x40];
	_ =	sdelay $0x4  }
0x3e: {  	v60 =	vshll.u32 v3, $0x1  }
0x3f: {  	v3 =	vand.u32 $0x7, v3;
	v4 =	vand.u32 $0xFFFFFFF0, v60  }
0x40: {  	v3 =	vor.u32 v3, v4  }
0x41: {  	v4 =	vperm.xlane v3, v0;
	_ =	sdelay $0x1  }
0x42: {  	v3 =	vperm.xlane v3, v2;
	v4 =	vadd.s32 v1, v4;
	_ =	sdelay $0x1  }
0x43: {  	v3 =	vadd.s32 v1, v3;
	_ =	sdelay $0x2  }
0x44: {  	[tilespmem:s16], [sflag:$0x1] =	stream.indirect_vreg.gather [hbm4b:s3+s2], $0x80, v4, vm0, $0xb8;
	[tilespmem:$0x8080] =	vst v63  }
0x45: {  	_ = 	snop  }
0x46: {  	[tilespmem:s17], [sflag:$0x1] =	stream.indirect_vreg.gather [hbm4b:s3+s2], $0x80, v3, vm0, $0xb8;
	[tilespmem:$0x8080] =	vst v63  }
0x47: {  	v3 =	vld [tilespmem:$0x50];
	_ =	sdelay $0x4  }
0x48: {  	v61 =	vshll.u32 v3, $0x1  }
0x49: {  	v3 =	vand.u32 $0x7, v3;
	v4 =	vand.u32 $0xFFFFFFF0, v61  }
0x4a: {  	v3 =	vor.u32 v3, v4  }
0x4b: {  	v4 =	vperm.xlane v3, v0;
	_ =	sdelay $0x1  }
0x4c: {  	v3 =	vperm.xlane v3, v2;
	v4 =	vadd.s32 v1, v4;
	_ =	sdelay $0x1  }
0x4d: {  	v3 =	vadd.s32 v1, v3;
	_ =	sdelay $0x2  }
0x4e: {  	[tilespmem:s18], [sflag:$0x1] =	stream.indirect_vreg.gather [hbm4b:s3+s2], $0x80, v4, vm0, $0xb8;
	[tilespmem:$0x8080] =	vst v63  }
0x4f: {  	_ = 	snop  }
0x50: {  	[tilespmem:s19], [sflag:$0x1] =	stream.indirect_vreg.gather [hbm4b:s3+s2], $0x80, v3, vm0, $0xb8;
	[tilespmem:$0x8080] =	vst v63  }
0x51: {  	v3 =	vld [tilespmem:$0x60];
	_ =	sdelay $0x4  }
0x52: {  	v62 =	vshll.u32 v3, $0x1  }
0x53: {  	v3 =	vand.u32 $0x7, v3;
	v4 =	vand.u32 $0xFFFFFFF0, v62  }
0x54: {  	v3 =	vor.u32 v3, v4  }
0x55: {  	v4 =	vperm.xlane v3, v0;
	_ =	sdelay $0x1  }
0x56: {  	v3 =	vperm.xlane v3, v2;
	v4 =	vadd.s32 v1, v4;
	_ =	sdelay $0x1  }
0x57: {  	v3 =	vadd.s32 v1, v3;
	_ =	sdelay $0x2  }
0x58: {  	[tilespmem:s20], [sflag:$0x1] =	stream.indirect_vreg.gather [hbm4b:s3+s2], $0x80, v4, vm0, $0xb8;
	[tilespmem:$0x8080] =	vst v63  }
0x59: {  	_ = 	snop  }
0x5a: {  	[tilespmem:s21], [sflag:$0x1] =	stream.indirect_vreg.gather [hbm4b:s3+s2], $0x80, v3, vm0, $0xb8;
	[tilespmem:$0x8080] =	vst v63  }
0x5b: {  	v3 =	vld [tilespmem:$0x70];
	_ =	sdelay $0x4  }
0x5c: {  	v63 =	vshll.u32 v3, $0x1  }
0x5d: {  	v3 =	vand.u32 $0x7, v3;
	v4 =	vand.u32 $0xFFFFFFF0, v63  }
0x5e: {  	v3 =	vor.u32 v3, v4  }
0x5f: {  	v4 =	vperm.xlane v3, v0;
	_ =	sdelay $0x1  }
0x60: {  	v3 =	vperm.xlane v3, v2;
	v4 =	vadd.s32 v1, v4;
	_ =	sdelay $0x1  }
0x61: {  	v3 =	vadd.s32 v1, v3;
	_ =	sdelay $0x2  }
0x62: {  	[tilespmem:s22], [sflag:$0x1] =	stream.indirect_vreg.gather [hbm4b:s3+s2], $0x80, v4, vm0, $0xb8;
	[tilespmem:$0x8080] =	vst v63  }
0x63: {  	_ = 	snop  }
0x64: {  	[tilespmem:s23], [sflag:$0x1] =	stream.indirect_vreg.gather [hbm4b:s3+s2], $0x80, v3, vm0, $0xb8;
	[tilespmem:$0x8080] =	vst v63  }
0x65: {  	_ =	swait.ge [sflag:s24], $0x8000  }
0x66: {  	p0 =	sne.s32 s6, $0x1;
	[sflag:s24] =	ssyncset.done $0x0  }
.Ltmp0:
0x67: {  	[sflag:s24] =	ssyncadd.s32 $0xFFFF8000;
	(pc) =	sbr.rel @p0 .LBB2_1-.Ltmp0, $4  }
0x68: {  	[hbm4b:s5+s2] =	stream.linear.scatter [tilespmem:s8], [sflag:$0x2], $0x8000, $0x38;
	[tilespmem:$0x8080] =	vst v63  }
0x69: {  	_ =	swait.ge [sflag:s7], $0x8000  }
0x6a: {  	[sflag:s7] =	ssyncset.done $0x0  }
0x6b: {  	s6 =	sadd.s32 $0xFFFFFFFF, s6;
	[sflag:s7] =	ssyncadd.s32 $0xFFFF8000  }
0x6c: {  	_ =	sfence.sel $0x180000  }
0x6d: {  	[bflag:$0x0] =	sbarrier.arrive $0xFFFF  }
0x6e: {  	p0 =	sne.s32 s1, $0x0;
	_ =	strace $0x90000047  }
0x6f: {  	s0 =	sadd.s32 @!p0 $0x100000, s0;
	[bflag:$0x2] =	sbarrier.arrive $0xFFFF  }
0x70: {  	[sflag:s0] =	ssyncadd.tile.s32 @!p0 $0x1;
	_ =	shalt  }
.Lfunc_end2:
_tile_overlayer_lowered:
.L_overlay_start_2:
0x71: {  	(tag) =	ssettag $0x2  }
0x72: {  	s0 =	rddreg [dreg:$0x0];
	s2 =	stileid.u32  }
0x73: {  	s1 =	rddreg [dreg:$0x1];
	p0 =	sne.s32 s2, $0x0  }
0x74: {  	s3 =	rddreg [dreg:$0x2];
	[bflag:$0x3] =	sbarrier.arrive $0xFFFF;
	s2 =	simm.s32 @!p0 $0x1C02  }
0x75: {  	[timem:s3], [sflag:s2] =	dma.local @!p0 [hbm:s0], s1  }
0x76: {  	s0 =	simm.s32 @!p0 $0x2  }
0x77: {  	_ =	swait.ge @!p0 [sflag:s0], s1  }
0x78: {  	s1 =	ssub.s32 @!p0 $0x0, s1;
	[sflag:s0] =	ssyncset.done @!p0 $0x0  }
0x79: {  	[sflag:s0] =	ssyncadd.s32 @!p0 s1  }
0x7a: {  	[bflag:$0x3] =	sbarrier.arrive $0xFFFF  }
0x7b: {  	_ =	shalt  }

// kernel: kernel.17.cloned.1.call-start
scs
__scs_entry_jumppad:
0x0: {  	(pc) =	sbr.rel $0x88, $3  }
0x1: {  	(tag) =	ssettag $0x0;
	lr =	simm.s32 $0x1  }
0x2: {  	[smem:$0x3F9F] =	sst lr;
	_ =	strace $0xD0000000  }
0x3: {  	_ = 	snop  }
0x4: {  	_ = 	snop  }
0x5: {  	_ = 	snop  }
0x6: {  	_ = 	snop  }
0x7: {  	_ = 	snop  }
__scs_overlays_trampoline_lowered:
0x8: {  	[smem:$0x3FAE] =	sst s0  }
0x9: {  	[smem:$0x3FAF] =	sst s1  }
0xa: {  	[smem:$0x3FB0] =	sst s2  }
0xb: {  	[smem:$0x3FB1] =	sst s3  }
0xc: {  	[smem:$0x3FB2] =	sst s4  }
0xd: {  	[smem:$0x3FB3] =	sst s5  }
0xe: {  	[smem:$0x3FB4] =	sst s6  }
0xf: {  	[smem:$0x3FB5] =	sst s7  }
0x10: {  	[smem:$0x3FB6] =	sst s8  }
0x11: {  	[smem:$0x3FB7] =	sst s9;
	s0 =	simm.s32 @!p0 $0x0  }
0x12: {  	s1 =	sld [smem:$0x3F9D];
	s0 =	simm.s32 @p0 $0x1  }
0x13: {  	[smem:$0x3FB8] =	sst s0;
	s0 =	simm.s32 @!p1 $0x0  }
0x14: {  	s2 =	sld [smem:$0x3F9C];
	s0 =	simm.s32 @p1 $0x1  }
0x15: {  	[smem:$0x3FB9] =	sst s0;
	s0 =	simm.s32 @!p2 $0x0  }
0x16: {  	s3 =	sld [smem:$0x3FDB];
	s0 =	simm.s32 @p2 $0x1  }
0x17: {  	s4 =	simm.s32 $0x1BF5;
	[smem:$0x3FBB] =	sst s0  }
0x18: {  	s0 =	sld [smem:$0x3F9E];
	_ =	swait.ge [sflag:s4], $0x0  }
0x19: {  	s7 =	sld [smem:$0x3F9F]  }
0x1a: {  	s8 =	sadd.s32 $0xFFFFE003, lr  }
0x1b: {  	s9 =	sadd.s32 $0xFFFFFEF7, lr;
	s5 =	simm.s32 $0xFFFFFFFF;
	p2 =	slt.u32 s8, $0xFFFFF086  }
0x1c: {  	p1 =	slt.u32 s9, $0xF7A;
	s5 =	simm.s32 @!p2 $0x0  }
0x1d: {  	s5 =	simm.s32 @p1 $0x1;
	p0 =	seq.s32 s7, s2  }
0x1e: {  	s7 =	smul.u32 @!p0 $0xF7A, s2;
	p2 =	seq.s32 @!p0 s5, $0x0  }
0x1f: {  	s9 =	smul.u32 $0xF7A, s1;
	s8 =	simm.s32 @!p0 $0x1BF5;
	p2 =	por !p2, p0  }
0x20: {  	[sflag:s8] =	ssyncset.s32 @!p0 $0xFFFFF086;
	s6 =	sadd.s32 @!p0 s3, s7;
	s7 =	simm.s32 @!p0 $0x108  }
0x21: {  	s3 =	sadd.s32 s3, s9;
	s6 =	sadd.s32 @!p0 $0x88, s6;
	s7 =	simm.s32 @p2 $0x1082  }
0x22: {  	[simem:s7], [sflag:s8] =	dma.local @!p0 [hbm:s6], $0xF7A  }
0x23: {  	s9 =	sor.u32 $0xD0000000, s2;
	s6 =	simm.s32 $0x108;
	_ =	swait.ge @!p0 [sflag:s8], $0x0  }
0x24: {  	s3 =	sadd.s32 $0x88, s3;
	s6 =	simm.s32 @!p1 $0x1082;
	[sflag:s4] =	ssyncset.s32 $0xFFFFF086  }
0x25: {  	[simem:s6], [sflag:s4] =	dma.local [hbm:s3], $0xF7A  }
0x26: {  	[smem:$0x3F9F] =	sst s1;
	(tag) =	ssettag s2;
	_ =	strace s9  }
0x27: {  	s1 =	sld [smem:$0x3FAF]  }
0x28: {  	s2 =	sld [smem:$0x3FB0]  }
0x29: {  	s4 =	sld [smem:$0x3FB2]  }
0x2a: {  	p0 =	seq.s32 s5, $0x0;
	s5 =	sld [smem:$0x3FB3]  }
0x2b: {  	s6 =	sld [smem:$0x3FB4]  }
0x2c: {  	s7 =	sld [smem:$0x3FB5]  }
0x2d: {  	s3 =	simm.s32 $0x108;
	s8 =	sld [smem:$0x3FB6]  }
0x2e: {  	s3 =	simm.s32 @!p0 $0x1082;
	s9 =	sld [smem:$0x3FB7]  }
0x2f: {  	lr =	sadd.s32 s0, s3;
	s0 =	sld [smem:$0x3FAE]  }
0x30: {  	s3 =	sld [smem:$0x3FB1]  }
0x31: {  	[smem:$0x3FBA] =	sst s10  }
0x32: {  	s10 =	sld [smem:$0x3FB8];
	_ =	sdelay $0x3  }
0x33: {  	p0 =	seq.s32 s10, $0x1;
	s10 =	sld [smem:$0x3FBA];
	_ =	sdelay $0x3  }
0x34: {  	[smem:$0x3FBA] =	sst s10  }
0x35: {  	s10 =	sld [smem:$0x3FB9];
	_ =	sdelay $0x3  }
0x36: {  	p1 =	seq.s32 s10, $0x1;
	s10 =	sld [smem:$0x3FBA];
	_ =	sdelay $0x3  }
0x37: {  	[smem:$0x3FBA] =	sst s10  }
0x38: {  	s10 =	sld [smem:$0x3FBB]  }
0x39: {  	_ = 	snop;
	(pc) =	sbr.ind lr, $3  }
0x3a: {  	_ = 	snop  }
0x3b: {  	_ = 	snop  }
0x3c: {  	p2 =	seq.s32 s10, $0x1;
	s10 =	sld [smem:$0x3FBA]  }
0x3d: {  	_ =	shalt  }
0x3e: {  	_ =	shalt  }
0x3f: {  	_ =	shalt  }
0x40: {  	_ =	shalt  }
0x41: {  	_ =	shalt  }
0x42: {  	_ =	shalt  }
0x43: {  	_ =	shalt  }
0x44: {  	_ =	shalt  }
0x45: {  	_ =	shalt  }
0x46: {  	_ =	shalt  }
0x47: {  	_ =	shalt  }
0x48: {  	_ =	shalt  }
0x49: {  	_ =	shalt  }
0x4a: {  	_ =	shalt  }
0x4b: {  	_ =	shalt  }
0x4c: {  	_ =	shalt  }
0x4d: {  	_ =	shalt  }
0x4e: {  	_ =	shalt  }
0x4f: {  	_ =	shalt  }
0x50: {  	_ =	shalt  }
0x51: {  	_ =	shalt  }
0x52: {  	_ =	shalt  }
0x53: {  	_ =	shalt  }
0x54: {  	_ =	shalt  }
0x55: {  	_ =	shalt  }
0x56: {  	_ =	shalt  }
0x57: {  	_ =	shalt  }
0x58: {  	_ =	shalt  }
0x59: {  	_ =	shalt  }
0x5a: {  	_ =	shalt  }
0x5b: {  	_ =	shalt  }
0x5c: {  	_ =	shalt  }
0x5d: {  	_ =	shalt  }
0x5e: {  	_ =	shalt  }
0x5f: {  	_ =	shalt  }
0x60: {  	_ =	shalt  }
0x61: {  	_ =	shalt  }
0x62: {  	_ =	shalt  }
0x63: {  	_ =	shalt  }
0x64: {  	_ =	shalt  }
0x65: {  	_ =	shalt  }
0x66: {  	_ =	shalt  }
0x67: {  	_ =	shalt  }
0x68: {  	_ =	shalt  }
0x69: {  	_ =	shalt  }
0x6a: {  	_ =	shalt  }
0x6b: {  	_ =	shalt  }
0x6c: {  	_ =	shalt  }
0x6d: {  	_ =	shalt  }
0x6e: {  	_ =	shalt  }
0x6f: {  	_ =	shalt  }
0x70: {  	_ =	shalt  }
0x71: {  	_ =	shalt  }
0x72: {  	_ =	shalt  }
0x73: {  	_ =	shalt  }
0x74: {  	_ =	shalt  }
0x75: {  	_ =	shalt  }
0x76: {  	_ =	shalt  }
0x77: {  	_ =	shalt  }
0x78: {  	_ =	shalt  }
0x79: {  	_ =	shalt  }
0x7a: {  	_ =	shalt  }
0x7b: {  	_ =	shalt  }
0x7c: {  	_ =	shalt  }
0x7d: {  	_ =	shalt  }
0x7e: {  	_ =	shalt  }
0x7f: {  	_ =	shalt  }
0x80: {  	_ =	shalt  }
0x81: {  	_ =	shalt  }
0x82: {  	_ =	shalt  }
0x83: {  	_ =	shalt  }
0x84: {  	_ =	shalt  }
0x85: {  	_ =	shalt  }
0x86: {  	_ =	shalt  }
0x87: {  	_ =	shalt  }
.Lfunc_end0:
.L_simem_size_0:
called_computation.1_lowered:
.L_overlay_start_0:
0x88: {  	s2 =	sld [smem:$0x3FD9]  }
0x89: {  	s3 =	sld [smem:$0x3FFE];
	_ =	sdelay $0x1  }
0x8a: {  	s1 =	srdreg.scid  }
0x8b: {  	s0 =	sand.u32 $0x1, s1  }
0x8c: {  	s14 =	sshll.u32 s0, $0xA;
	s2 =	sadd.s32 s3, s2  }
0x8d: {  	s2 =	sadd.s32 s2, s14  }
0x8e: {  	[smem:$0x3FC6] =	sst s2  }
0x8f: {  	_ = 	snop  }
0x90: {  	s2 =	sld [smem:$0x3FD0];
	_ =	sdelay $0x2  }
0x91: {  	s15 =	simm.s32 $0xA;
	s4 =	simm.s32 $0x10  }
0x92: {  	[smem:s4], [sflag:s15] =	dma.local [hbm:s2], $0x1  }
0x93: {  	_ =	swait.eq [sflag:s15], $0x1  }
0x94: {  	[sflag:s15] =	ssyncset.done $0x0  }
0x95: {  	[sflag:s15] =	ssyncadd.s32 $0xFFFFFFFF  }
0x96: {  	s16 =	sld [smem:$0x10];
	(tm) =	ssettm $0x1  }
0x97: {  	s17 =	sld [smem:$0x3FFB];
	_ =	sdelay $0x3  }
0x98: {  	_ =	strace s17  }
0x99: {  	s3 =	sld [smem:$0x3FFC];
	_ =	sdelay $0x3  }
0x9a: {  	_ =	strace s3  }
0x9b: {  	s3 =	sld [smem:$0x3FFD];
	_ =	sdelay $0x3  }
0x9c: {  	_ =	strace s3  }
0x9d: {  	_ =	strace $0x8FFFFFFF  }
0x9e: {  	s18 =	sld [smem:$0x3FDB];
	_ =	sdelay $0x1  }
0x9f: {  	s19 =	simm.s32 $_scs_section_size  }
0xa0: {  	s5 =	simm.s32 $_size__tile_overlayer_lowered;
	s6 =	simm.s32 $_tile_overlayer_lowered  }
0xa1: {  	s22 =	simm.s32 $0x1BFF;
	s21 =	sshll.u32 s6, $0x1;
	s3 =	sadd.s32 s19, s18  }
0xa2: {  	s7 =	simm.s32 $0x0;
	s20 =	sshll.u32 s5, $0x1;
	s5 =	sadd.s32 s21, s3  }
0xa3: {  	[timem:s7], [sflag:s22] =	dma.local [hbm:s5], s20  }
0xa4: {  	_ =	swait.ge [sflag:s22], s20  }
0xa5: {  	s4 =	ssub.s32 $0x0, s20;
	[sflag:s22] =	ssyncset.done $0x0  }
0xa6: {  	[sflag:s22] =	ssyncadd.s32 s4;
	_ =	sdelay $0x1  }
0xa7: {  	s23 =	simm.s32 $0x1B8B  }
0xa8: {  	_ =	swait.ge [sflag:s23], $0x1  }
0xa9: {  	[sflag:s23] =	ssyncset.done $0x0  }
0xaa: {  	s25 =	simm.s32 $0x1B8E;
	s24 =	sld [smem:$0x3FFE];
	[sflag:s23] =	ssyncadd.s32 $0xFFFFFFFF  }
0xab: {  	s26 =	simm.s32 $execute0_lowered;
	[smem:$0x3FD2] =	sst s25  }
0xac: {  	s5 =	sshll.u32 s26, $0x1;
	_ =	strace $0x80000049;
	[dreg:$0x1] =	wrdreg $0xFFFFFFFF  }
0xad: {  	s28 =	simm.s32 $_size_execute0_lowered;
	s3 =	sadd.s32 s3, s5;
	[dreg:$0x0] =	wrdreg $0x0  }
0xae: {  	s5 =	sshll.u32 s28, $0x1;
	[dreg:$0x2] =	wrdreg s3  }
0xaf: {  	[dreg:$0x3] =	wrdreg s5  }
0xb0: {  	[dreg:$0x4] =	wrdreg $0xC0  }
0xb1: {  	_ =	task [dreg:s7], $0x5FFFF  }
0xb2: {  	[dreg:$0x1] =	wrdreg $0xFFFFFFFF  }
0xb3: {  	[dreg:$0x0] =	wrdreg $0x60  }
0xb4: {  	[dreg:$0x2] =	wrdreg s24  }
0xb5: {  	[dreg:$0x3] =	wrdreg s16  }
0xb6: {  	[dreg:$0x4] =	wrdreg $0x9  }
0xb7: {  	_ =	task.clear_ibuf [dreg:s7], $0x5FFFF;
	_ =	strace $0x90000049  }
0xb8: {  	s29 =	simm.s32 $0x9;
	_ =	strace $0x8000004B  }
0xb9: {  	_ =	swait.ge [sflag:s29], $0x1  }
0xba: {  	[sflag:s29] =	ssyncadd.s32 $0xFFFFFFFF  }
0xbb: {  	_ =	strace $0x9000004B  }
0xbc: {  	_ =	sfence  }
0xbd: {  	s30 =	sld [smem:$0x0];
	_ =	sdelay $0x2  }
0xbe: {  	s31 =	sshll.u32 s1, $0xD;
	s1 =	sshrl.u32 s1, $0x2  }
0xbf: {  	s3 =	sand.u32 $0x4000, s31;
	s1 =	sadd.s32 s1, s30  }
0xc0: {  	s0 =	sor.u32 s3, s0;
	s1 =	sshll.u32 s1, $0x11  }
0xc1: {  	s0 =	sor.u32 s1, s0  }
0xc2: {  	s0 =	sadd.s32 $0x8F2B, s0  }
0xc3: {  	[sflag:s0] =	ssyncadd.remote.s32 $0x1  }
0xc4: {  	_ =	sfence.sel $0xFFFF  }
0xc5: {  	[dreg:$0x0] =	wrdreg $0xFFFFFFFF;
	(pc) =	sbr.abs _section_cstart, $3  }
0xc6: {  	[dreg:$0x1] =	wrdreg $0xFFFFFFFF  }
0xc7: {  	_ =	task.clear_ibuf [dreg:s7], $0x2FFFF;
	_ =	strace $0x9FFFFFFF  }
0xc8: {  	(tm) =	ssettm $0x7FFFFFFF  }
0xc9: {  	_ =	shalt  }
tec
execute0_lowered:
.L_overlay_start_1:
0x0: {  	(tag) =	ssettag $0x1  }
0x1: {  	s4 =	rddreg [dreg:$0x0]  }
0x2: {  	s5 =	rddreg [dreg:$0x1]  }
0x3: {  	s0 =	rddreg [dreg:$0x2];
	s3 =	srdreg.scid  }
0x4: {  	s2 =	simm.s32 $0x0;
	s1 =	stileid.u32;
	s10 =	simm.s32 $0x1080  }
0x5: {  	s11 =	simm.s32 $0x1880;
	s12 =	simm.s32 $0x2080;
	s13 =	simm.s32 $0x2880  }
0x6: {  	s14 =	simm.s32 $0x3080;
	s15 =	simm.s32 $0x3880;
	s16 =	simm.s32 $0x4080  }
0x7: {  	s17 =	simm.s32 $0x4880;
	s18 =	simm.s32 $0x5080;
	s19 =	simm.s32 $0x5880  }
0x8: {  	s20 =	simm.s32 $0x6080;
	s21 =	simm.s32 $0x6880;
	s22 =	simm.s32 $0x7080  }
0x9: {  	s23 =	simm.s32 $0x7880;
	s24 =	simm.s32 $0x1;
	s3 =	sand.u32 $0x1, s3  }
0xa: {  	[smem:$0x7FF] =	sst s2;
	s6 =	sshll.u32 s1, $0x8;
	s7 =	sshll.u32 s3, $0x7  }
0xb: {  	_ =	strace $0x8000004A;
	s31 =	ssub.s32 $0x2, s3;
	s6 =	sor.u32 s7, s6  }
0xc: {  	s3 =	sadd.s32 $0xBA00, s4;
	s9 =	sshrl.u32 s31, $0x1;
	s8 =	sshrl.u32 s6, $0x3  }
0xd: {  	v2 =	vlaneseq.u32;
	s7 =	ssub.s32 s31, s9;
	s6 =	sshll.u32 s6, $0x5;
	s9 =	simm.s32 $0x880  }
0xe: {  	vm0 =	vmmov $0xffff;
	v1 =	vshrl.u32 v2, $0x3;
	s4 =	sadd.s32 s8, s4;
	s5 =	sadd.s32 s5, s6;
	s6 =	smax.u32 s7, $0x1  }
0xf: {  	v0 =	vand.u32 $0x7, v2;
	v2 =	vor.u32 $0x8, v2;
	v1 =	vmul.u32 $0x8, v1;
	s7 =	simm.s32 $0x2;
	s8 =	simm.s32 $0x80;
	s4 =	sadd.s32 $0x3E00, s4  }
.LBB2_1:
0x10: {  	[tilespmem:s2], [sflag:$0x2] =	stream.linear.gather [hbm4b:s4+s2], $0x80, $0x38;
	[tilespmem:$0x8080] =	vst v63  }
0x11: {  	_ =	swait.ge [sflag:s7], $0x80  }
0x12: {  	[sflag:s7] =	ssyncset.done $0x0  }
0x13: {  	[sflag:s7] =	ssyncadd.s32 $0xFFFFFF80  }
0x14: {  	v3 =	vld [tilespmem:$0x0];
	_ =	sdelay $0x4  }
0x15: {  	v4 =	vshll.u32 v3, $0x1  }
0x16: {  	v3 =	vand.u32 $0x7, v3;
	v4 =	vand.u32 $0xFFFFFFF0, v4  }
0x17: {  	v3 =	vor.u32 v3, v4  }
0x18: {  	v4 =	vperm.xlane v3, v0;
	_ =	sdelay $0x1  }
0x19: {  	v3 =	vperm.xlane v3, v2;
	v4 =	vadd.s32 v1, v4;
	_ =	sdelay $0x1  }
0x1a: {  	v3 =	vadd.s32 v1, v3;
	_ =	sdelay $0x2  }
0x1b: {  	[tilespmem:s8], [sflag:$0x1] =	stream.indirect_vreg.gather [hbm4b:s3+s2], $0x80, v4, vm0, $0xb8;
	[tilespmem:$0x8080] =	vst v63  }
0x1c: {  	_ = 	snop  }
0x1d: {  	[tilespmem:s9], [sflag:$0x1] =	stream.indirect_vreg.gather [hbm4b:s3+s2], $0x80, v3, vm0, $0xb8;
	[tilespmem:$0x8080] =	vst v63  }
0x1e: {  	v3 =	vld [tilespmem:$0x10];
	_ =	sdelay $0x4  }
0x1f: {  	v57 =	vshll.u32 v3, $0x1  }
0x20: {  	v3 =	vand.u32 $0x7, v3;
	v4 =	vand.u32 $0xFFFFFFF0, v57  }
0x21: {  	v3 =	vor.u32 v3, v4  }
0x22: {  	v4 =	vperm.xlane v3, v0;
	_ =	sdelay $0x1  }
0x23: {  	v3 =	vperm.xlane v3, v2;
	v4 =	vadd.s32 v1, v4;
	_ =	sdelay $0x1  }
0x24: {  	v3 =	vadd.s32 v1, v3;
	_ =	sdelay $0x2  }
0x25: {  	[tilespmem:s10], [sflag:$0x1] =	stream.indirect_vreg.gather [hbm4b:s3+s2], $0x80, v4, vm0, $0xb8;
	[tilespmem:$0x8080] =	vst v63  }
0x26: {  	_ = 	snop  }
0x27: {  	[tilespmem:s11], [sflag:$0x1] =	stream.indirect_vreg.gather [hbm4b:s3+s2], $0x80, v3, vm0, $0xb8;
	[tilespmem:$0x8080] =	vst v63  }
0x28: {  	v3 =	vld [tilespmem:$0x20];
	_ =	sdelay $0x4  }
0x29: {  	v58 =	vshll.u32 v3, $0x1  }
0x2a: {  	v3 =	vand.u32 $0x7, v3;
	v4 =	vand.u32 $0xFFFFFFF0, v58  }
0x2b: {  	v3 =	vor.u32 v3, v4  }
0x2c: {  	v4 =	vperm.xlane v3, v0;
	_ =	sdelay $0x1  }
0x2d: {  	v3 =	vperm.xlane v3, v2;
	v4 =	vadd.s32 v1, v4;
	_ =	sdelay $0x1  }
0x2e: {  	v3 =	vadd.s32 v1, v3;
	_ =	sdelay $0x2  }
0x2f: {  	[tilespmem:s12], [sflag:$0x1] =	stream.indirect_vreg.gather [hbm4b:s3+s2], $0x80, v4, vm0, $0xb8;
	[tilespmem:$0x8080] =	vst v63  }
0x30: {  	_ = 	snop  }
0x31: {  	[tilespmem:s13], [sflag:$0x1] =	stream.indirect_vreg.gather [hbm4b:s3+s2], $0x80, v3, vm0, $0xb8;
	[tilespmem:$0x8080] =	vst v63  }
0x32: {  	v3 =	vld [tilespmem:$0x30];
	_ =	sdelay $0x4  }
0x33: {  	v59 =	vshll.u32 v3, $0x1  }
0x34: {  	v3 =	vand.u32 $0x7, v3;
	v4 =	vand.u32 $0xFFFFFFF0, v59  }
0x35: {  	v3 =	vor.u32 v3, v4  }
0x36: {  	v4 =	vperm.xlane v3, v0;
	_ =	sdelay $0x1  }
0x37: {  	v3 =	vperm.xlane v3, v2;
	v4 =	vadd.s32 v1, v4;
	_ =	sdelay $0x1  }
0x38: {  	v3 =	vadd.s32 v1, v3;
	_ =	sdelay $0x2  }
0x39: {  	[tilespmem:s14], [sflag:$0x1] =	stream.indirect_vreg.gather [hbm4b:s3+s2], $0x80, v4, vm0, $0xb8;
	[tilespmem:$0x8080] =	vst v63  }
0x3a: {  	_ = 	snop  }
0x3b: {  	[tilespmem:s15], [sflag:$0x1] =	stream.indirect_vreg.gather [hbm4b:s3+s2], $0x80, v3, vm0, $0xb8;
	[tilespmem:$0x8080] =	vst v63  }
0x3c: {  	v3 =	vld [tilespmem:$0x40];
	_ =	sdelay $0x4  }
0x3d: {  	v60 =	vshll.u32 v3, $0x1  }
0x3e: {  	v3 =	vand.u32 $0x7, v3;
	v4 =	vand.u32 $0xFFFFFFF0, v60  }
0x3f: {  	v3 =	vor.u32 v3, v4  }
0x40: {  	v4 =	vperm.xlane v3, v0;
	_ =	sdelay $0x1  }
0x41: {  	v3 =	vperm.xlane v3, v2;
	v4 =	vadd.s32 v1, v4;
	_ =	sdelay $0x1  }
0x42: {  	v3 =	vadd.s32 v1, v3;
	_ =	sdelay $0x2  }
0x43: {  	[tilespmem:s16], [sflag:$0x1] =	stream.indirect_vreg.gather [hbm4b:s3+s2], $0x80, v4, vm0, $0xb8;
	[tilespmem:$0x8080] =	vst v63  }
0x44: {  	_ = 	snop  }
0x45: {  	[tilespmem:s17], [sflag:$0x1] =	stream.indirect_vreg.gather [hbm4b:s3+s2], $0x80, v3, vm0, $0xb8;
	[tilespmem:$0x8080] =	vst v63  }
0x46: {  	v3 =	vld [tilespmem:$0x50];
	_ =	sdelay $0x4  }
0x47: {  	v61 =	vshll.u32 v3, $0x1  }
0x48: {  	v3 =	vand.u32 $0x7, v3;
	v4 =	vand.u32 $0xFFFFFFF0, v61  }
0x49: {  	v3 =	vor.u32 v3, v4  }
0x4a: {  	v4 =	vperm.xlane v3, v0;
	_ =	sdelay $0x1  }
0x4b: {  	v3 =	vperm.xlane v3, v2;
	v4 =	vadd.s32 v1, v4;
	_ =	sdelay $0x1  }
0x4c: {  	v3 =	vadd.s32 v1, v3;
	_ =	sdelay $0x2  }
0x4d: {  	[tilespmem:s18], [sflag:$0x1] =	stream.indirect_vreg.gather [hbm4b:s3+s2], $0x80, v4, vm0, $0xb8;
	[tilespmem:$0x8080] =	vst v63  }
0x4e: {  	_ = 	snop  }
0x4f: {  	[tilespmem:s19], [sflag:$0x1] =	stream.indirect_vreg.gather [hbm4b:s3+s2], $0x80, v3, vm0, $0xb8;
	[tilespmem:$0x8080] =	vst v63  }
0x50: {  	v3 =	vld [tilespmem:$0x60];
	_ =	sdelay $0x4  }
0x51: {  	v62 =	vshll.u32 v3, $0x1  }
0x52: {  	v3 =	vand.u32 $0x7, v3;
	v4 =	vand.u32 $0xFFFFFFF0, v62  }
0x53: {  	v3 =	vor.u32 v3, v4  }
0x54: {  	v4 =	vperm.xlane v3, v0;
	_ =	sdelay $0x1  }
0x55: {  	v3 =	vperm.xlane v3, v2;
	v4 =	vadd.s32 v1, v4;
	_ =	sdelay $0x1  }
0x56: {  	v3 =	vadd.s32 v1, v3;
	_ =	sdelay $0x2  }
0x57: {  	[tilespmem:s20], [sflag:$0x1] =	stream.indirect_vreg.gather [hbm4b:s3+s2], $0x80, v4, vm0, $0xb8;
	[tilespmem:$0x8080] =	vst v63  }
0x58: {  	_ = 	snop  }
0x59: {  	[tilespmem:s21], [sflag:$0x1] =	stream.indirect_vreg.gather [hbm4b:s3+s2], $0x80, v3, vm0, $0xb8;
	[tilespmem:$0x8080] =	vst v63  }
0x5a: {  	v3 =	vld [tilespmem:$0x70];
	_ =	sdelay $0x4  }
0x5b: {  	v63 =	vshll.u32 v3, $0x1  }
0x5c: {  	v3 =	vand.u32 $0x7, v3;
	v4 =	vand.u32 $0xFFFFFFF0, v63  }
0x5d: {  	v3 =	vor.u32 v3, v4  }
0x5e: {  	v4 =	vperm.xlane v3, v0;
	_ =	sdelay $0x1  }
0x5f: {  	v3 =	vperm.xlane v3, v2;
	v4 =	vadd.s32 v1, v4;
	_ =	sdelay $0x1  }
0x60: {  	v3 =	vadd.s32 v1, v3;
	_ =	sdelay $0x2  }
0x61: {  	[tilespmem:s22], [sflag:$0x1] =	stream.indirect_vreg.gather [hbm4b:s3+s2], $0x80, v4, vm0, $0xb8;
	[tilespmem:$0x8080] =	vst v63  }
0x62: {  	_ = 	snop  }
0x63: {  	[tilespmem:s23], [sflag:$0x1] =	stream.indirect_vreg.gather [hbm4b:s3+s2], $0x80, v3, vm0, $0xb8;
	[tilespmem:$0x8080] =	vst v63  }
0x64: {  	_ =	swait.ge [sflag:s24], $0x8000  }
0x65: {  	p0 =	sne.s32 s6, $0x1;
	[sflag:s24] =	ssyncset.done $0x0  }
.Ltmp0:
0x66: {  	[sflag:s24] =	ssyncadd.s32 $0xFFFF8000;
	(pc) =	sbr.rel @p0 .LBB2_1-.Ltmp0, $4  }
0x67: {  	[hbm4b:s5+s2] =	stream.linear.scatter [tilespmem:s8], [sflag:$0x2], $0x8000, $0x38;
	[tilespmem:$0x8080] =	vst v63  }
0x68: {  	_ =	swait.ge [sflag:s7], $0x8000  }
0x69: {  	[sflag:s7] =	ssyncset.done $0x0  }
0x6a: {  	s6 =	sadd.s32 $0xFFFFFFFF, s6;
	[sflag:s7] =	ssyncadd.s32 $0xFFFF8000  }
0x6b: {  	_ =	sfence.sel $0x180000  }
0x6c: {  	[bflag:$0x0] =	sbarrier.arrive $0xFFFF  }
0x6d: {  	p0 =	sne.s32 s1, $0x0;
	_ =	strace $0x9000004A  }
0x6e: {  	s0 =	sadd.s32 @!p0 $0x100000, s0;
	[bflag:$0x2] =	sbarrier.arrive $0xFFFF  }
0x6f: {  	[sflag:s0] =	ssyncadd.tile.s32 @!p0 $0x1;
	_ =	shalt  }
.Lfunc_end2:
_tile_overlayer_lowered:
.L_overlay_start_2:
0x70: {  	(tag) =	ssettag $0x2  }
0x71: {  	s0 =	rddreg [dreg:$0x0];
	s2 =	stileid.u32  }
0x72: {  	s1 =	rddreg [dreg:$0x1];
	p0 =	sne.s32 s2, $0x0  }
0x73: {  	s3 =	rddreg [dreg:$0x2];
	[bflag:$0x3] =	sbarrier.arrive $0xFFFF;
	s2 =	simm.s32 @!p0 $0x1C02  }
0x74: {  	[timem:s3], [sflag:s2] =	dma.local @!p0 [hbm:s0], s1  }
0x75: {  	s0 =	simm.s32 @!p0 $0x2  }
0x76: {  	_ =	swait.ge @!p0 [sflag:s0], s1  }
0x77: {  	s1 =	ssub.s32 @!p0 $0x0, s1;
	[sflag:s0] =	ssyncset.done @!p0 $0x0  }
0x78: {  	[sflag:s0] =	ssyncadd.s32 @!p0 s1  }
0x79: {  	[bflag:$0x3] =	sbarrier.arrive $0xFFFF  }
0x7a: {  	_ =	shalt  }

// kernel: kernel.20.cloned.1.call-start
scs
__scs_entry_jumppad:
0x0: {  	(pc) =	sbr.rel $0x88, $3  }
0x1: {  	(tag) =	ssettag $0x0;
	lr =	simm.s32 $0x1  }
0x2: {  	[smem:$0x3F9F] =	sst lr;
	_ =	strace $0xD0000000  }
0x3: {  	_ = 	snop  }
0x4: {  	_ = 	snop  }
0x5: {  	_ = 	snop  }
0x6: {  	_ = 	snop  }
0x7: {  	_ = 	snop  }
__scs_overlays_trampoline_lowered:
0x8: {  	[smem:$0x3FAE] =	sst s0  }
0x9: {  	[smem:$0x3FAF] =	sst s1  }
0xa: {  	[smem:$0x3FB0] =	sst s2  }
0xb: {  	[smem:$0x3FB1] =	sst s3  }
0xc: {  	[smem:$0x3FB2] =	sst s4  }
0xd: {  	[smem:$0x3FB3] =	sst s5  }
0xe: {  	[smem:$0x3FB4] =	sst s6  }
0xf: {  	[smem:$0x3FB5] =	sst s7  }
0x10: {  	[smem:$0x3FB6] =	sst s8  }
0x11: {  	[smem:$0x3FB7] =	sst s9;
	s0 =	simm.s32 @!p0 $0x0  }
0x12: {  	s1 =	sld [smem:$0x3F9D];
	s0 =	simm.s32 @p0 $0x1  }
0x13: {  	[smem:$0x3FB8] =	sst s0;
	s0 =	simm.s32 @!p1 $0x0  }
0x14: {  	s2 =	sld [smem:$0x3F9C];
	s0 =	simm.s32 @p1 $0x1  }
0x15: {  	[smem:$0x3FB9] =	sst s0;
	s0 =	simm.s32 @!p2 $0x0  }
0x16: {  	s3 =	sld [smem:$0x3FDB];
	s0 =	simm.s32 @p2 $0x1  }
0x17: {  	s4 =	simm.s32 $0x1BF5;
	[smem:$0x3FBB] =	sst s0  }
0x18: {  	s0 =	sld [smem:$0x3F9E];
	_ =	swait.ge [sflag:s4], $0x0  }
0x19: {  	s7 =	sld [smem:$0x3F9F]  }
0x1a: {  	s8 =	sadd.s32 $0xFFFFE003, lr  }
0x1b: {  	s9 =	sadd.s32 $0xFFFFFEF7, lr;
	s5 =	simm.s32 $0xFFFFFFFF;
	p2 =	slt.u32 s8, $0xFFFFF086  }
0x1c: {  	p1 =	slt.u32 s9, $0xF7A;
	s5 =	simm.s32 @!p2 $0x0  }
0x1d: {  	s5 =	simm.s32 @p1 $0x1;
	p0 =	seq.s32 s7, s2  }
0x1e: {  	s7 =	smul.u32 @!p0 $0xF7A, s2;
	p2 =	seq.s32 @!p0 s5, $0x0  }
0x1f: {  	s9 =	smul.u32 $0xF7A, s1;
	s8 =	simm.s32 @!p0 $0x1BF5;
	p2 =	por !p2, p0  }
0x20: {  	[sflag:s8] =	ssyncset.s32 @!p0 $0xFFFFF086;
	s6 =	sadd.s32 @!p0 s3, s7;
	s7 =	simm.s32 @!p0 $0x108  }
0x21: {  	s3 =	sadd.s32 s3, s9;
	s6 =	sadd.s32 @!p0 $0x88, s6;
	s7 =	simm.s32 @p2 $0x1082  }
0x22: {  	[simem:s7], [sflag:s8] =	dma.local @!p0 [hbm:s6], $0xF7A  }
0x23: {  	s9 =	sor.u32 $0xD0000000, s2;
	s6 =	simm.s32 $0x108;
	_ =	swait.ge @!p0 [sflag:s8], $0x0  }
0x24: {  	s3 =	sadd.s32 $0x88, s3;
	s6 =	simm.s32 @!p1 $0x1082;
	[sflag:s4] =	ssyncset.s32 $0xFFFFF086  }
0x25: {  	[simem:s6], [sflag:s4] =	dma.local [hbm:s3], $0xF7A  }
0x26: {  	[smem:$0x3F9F] =	sst s1;
	(tag) =	ssettag s2;
	_ =	strace s9  }
0x27: {  	s1 =	sld [smem:$0x3FAF]  }
0x28: {  	s2 =	sld [smem:$0x3FB0]  }
0x29: {  	s4 =	sld [smem:$0x3FB2]  }
0x2a: {  	p0 =	seq.s32 s5, $0x0;
	s5 =	sld [smem:$0x3FB3]  }
0x2b: {  	s6 =	sld [smem:$0x3FB4]  }
0x2c: {  	s7 =	sld [smem:$0x3FB5]  }
0x2d: {  	s3 =	simm.s32 $0x108;
	s8 =	sld [smem:$0x3FB6]  }
0x2e: {  	s3 =	simm.s32 @!p0 $0x1082;
	s9 =	sld [smem:$0x3FB7]  }
0x2f: {  	lr =	sadd.s32 s0, s3;
	s0 =	sld [smem:$0x3FAE]  }
0x30: {  	s3 =	sld [smem:$0x3FB1]  }
0x31: {  	[smem:$0x3FBA] =	sst s10  }
0x32: {  	s10 =	sld [smem:$0x3FB8];
	_ =	sdelay $0x3  }
0x33: {  	p0 =	seq.s32 s10, $0x1;
	s10 =	sld [smem:$0x3FBA];
	_ =	sdelay $0x3  }
0x34: {  	[smem:$0x3FBA] =	sst s10  }
0x35: {  	s10 =	sld [smem:$0x3FB9];
	_ =	sdelay $0x3  }
0x36: {  	p1 =	seq.s32 s10, $0x1;
	s10 =	sld [smem:$0x3FBA];
	_ =	sdelay $0x3  }
0x37: {  	[smem:$0x3FBA] =	sst s10  }
0x38: {  	s10 =	sld [smem:$0x3FBB]  }
0x39: {  	_ = 	snop;
	(pc) =	sbr.ind lr, $3  }
0x3a: {  	_ = 	snop  }
0x3b: {  	_ = 	snop  }
0x3c: {  	p2 =	seq.s32 s10, $0x1;
	s10 =	sld [smem:$0x3FBA]  }
0x3d: {  	_ =	shalt  }
0x3e: {  	_ =	shalt  }
0x3f: {  	_ =	shalt  }
0x40: {  	_ =	shalt  }
0x41: {  	_ =	shalt  }
0x42: {  	_ =	shalt  }
0x43: {  	_ =	shalt  }
0x44: {  	_ =	shalt  }
0x45: {  	_ =	shalt  }
0x46: {  	_ =	shalt  }
0x47: {  	_ =	shalt  }
0x48: {  	_ =	shalt  }
0x49: {  	_ =	shalt  }
0x4a: {  	_ =	shalt  }
0x4b: {  	_ =	shalt  }
0x4c: {  	_ =	shalt  }
0x4d: {  	_ =	shalt  }
0x4e: {  	_ =	shalt  }
0x4f: {  	_ =	shalt  }
0x50: {  	_ =	shalt  }
0x51: {  	_ =	shalt  }
0x52: {  	_ =	shalt  }
0x53: {  	_ =	shalt  }
0x54: {  	_ =	shalt  }
0x55: {  	_ =	shalt  }
0x56: {  	_ =	shalt  }
0x57: {  	_ =	shalt  }
0x58: {  	_ =	shalt  }
0x59: {  	_ =	shalt  }
0x5a: {  	_ =	shalt  }
0x5b: {  	_ =	shalt  }
0x5c: {  	_ =	shalt  }
0x5d: {  	_ =	shalt  }
0x5e: {  	_ =	shalt  }
0x5f: {  	_ =	shalt  }
0x60: {  	_ =	shalt  }
0x61: {  	_ =	shalt  }
0x62: {  	_ =	shalt  }
0x63: {  	_ =	shalt  }
0x64: {  	_ =	shalt  }
0x65: {  	_ =	shalt  }
0x66: {  	_ =	shalt  }
0x67: {  	_ =	shalt  }
0x68: {  	_ =	shalt  }
0x69: {  	_ =	shalt  }
0x6a: {  	_ =	shalt  }
0x6b: {  	_ =	shalt  }
0x6c: {  	_ =	shalt  }
0x6d: {  	_ =	shalt  }
0x6e: {  	_ =	shalt  }
0x6f: {  	_ =	shalt  }
0x70: {  	_ =	shalt  }
0x71: {  	_ =	shalt  }
0x72: {  	_ =	shalt  }
0x73: {  	_ =	shalt  }
0x74: {  	_ =	shalt  }
0x75: {  	_ =	shalt  }
0x76: {  	_ =	shalt  }
0x77: {  	_ =	shalt  }
0x78: {  	_ =	shalt  }
0x79: {  	_ =	shalt  }
0x7a: {  	_ =	shalt  }
0x7b: {  	_ =	shalt  }
0x7c: {  	_ =	shalt  }
0x7d: {  	_ =	shalt  }
0x7e: {  	_ =	shalt  }
0x7f: {  	_ =	shalt  }
0x80: {  	_ =	shalt  }
0x81: {  	_ =	shalt  }
0x82: {  	_ =	shalt  }
0x83: {  	_ =	shalt  }
0x84: {  	_ =	shalt  }
0x85: {  	_ =	shalt  }
0x86: {  	_ =	shalt  }
0x87: {  	_ =	shalt  }
.Lfunc_end0:
.L_simem_size_0:
called_computation.2_lowered:
.L_overlay_start_0:
0x88: {  	s2 =	sld [smem:$0x3FD9]  }
0x89: {  	s3 =	sld [smem:$0x3FFE];
	_ =	sdelay $0x1  }
0x8a: {  	s1 =	srdreg.scid  }
0x8b: {  	s0 =	sand.u32 $0x1, s1  }
0x8c: {  	s14 =	sshll.u32 s0, $0xA;
	s2 =	sadd.s32 s3, s2  }
0x8d: {  	s2 =	sadd.s32 s2, s14  }
0x8e: {  	[smem:$0x3FC6] =	sst s2  }
0x8f: {  	_ = 	snop  }
0x90: {  	s2 =	sld [smem:$0x3FD0];
	_ =	sdelay $0x2  }
0x91: {  	s15 =	simm.s32 $0xA;
	s4 =	simm.s32 $0x10  }
0x92: {  	[smem:s4], [sflag:s15] =	dma.local [hbm:s2], $0x1  }
0x93: {  	_ =	swait.eq [sflag:s15], $0x1  }
0x94: {  	[sflag:s15] =	ssyncset.done $0x0  }
0x95: {  	[sflag:s15] =	ssyncadd.s32 $0xFFFFFFFF  }
0x96: {  	s16 =	sld [smem:$0x10];
	(tm) =	ssettm $0x1  }
0x97: {  	s17 =	sld [smem:$0x3FFB];
	_ =	sdelay $0x3  }
0x98: {  	_ =	strace s17  }
0x99: {  	s3 =	sld [smem:$0x3FFC];
	_ =	sdelay $0x3  }
0x9a: {  	_ =	strace s3  }
0x9b: {  	s3 =	sld [smem:$0x3FFD];
	_ =	sdelay $0x3  }
0x9c: {  	_ =	strace s3  }
0x9d: {  	_ =	strace $0x8FFFFFFF  }
0x9e: {  	s18 =	sld [smem:$0x3FDB];
	_ =	sdelay $0x1  }
0x9f: {  	s19 =	simm.s32 $_scs_section_size  }
0xa0: {  	s5 =	simm.s32 $_size__tile_overlayer_lowered;
	s6 =	simm.s32 $_tile_overlayer_lowered  }
0xa1: {  	s22 =	simm.s32 $0x1BFF;
	s21 =	sshll.u32 s6, $0x1;
	s3 =	sadd.s32 s19, s18  }
0xa2: {  	s7 =	simm.s32 $0x0;
	s20 =	sshll.u32 s5, $0x1;
	s5 =	sadd.s32 s21, s3  }
0xa3: {  	[timem:s7], [sflag:s22] =	dma.local [hbm:s5], s20  }
0xa4: {  	_ =	swait.ge [sflag:s22], s20  }
0xa5: {  	s4 =	ssub.s32 $0x0, s20;
	[sflag:s22] =	ssyncset.done $0x0  }
0xa6: {  	[sflag:s22] =	ssyncadd.s32 s4;
	_ =	sdelay $0x1  }
0xa7: {  	s23 =	simm.s32 $0x1B8B  }
0xa8: {  	_ =	swait.ge [sflag:s23], $0x1  }
0xa9: {  	[sflag:s23] =	ssyncset.done $0x0  }
0xaa: {  	s25 =	simm.s32 $0x1B8E;
	s24 =	sld [smem:$0x3FFE];
	[sflag:s23] =	ssyncadd.s32 $0xFFFFFFFF  }
0xab: {  	s26 =	simm.s32 $execute0_lowered;
	[smem:$0x3FD2] =	sst s25  }
0xac: {  	s5 =	sshll.u32 s26, $0x1;
	_ =	strace $0x8000004C;
	[dreg:$0x1] =	wrdreg $0xFFFFFFFF  }
0xad: {  	s28 =	simm.s32 $_size_execute0_lowered;
	s3 =	sadd.s32 s3, s5;
	[dreg:$0x0] =	wrdreg $0x0  }
0xae: {  	s5 =	sshll.u32 s28, $0x1;
	[dreg:$0x2] =	wrdreg s3  }
0xaf: {  	[dreg:$0x3] =	wrdreg s5  }
0xb0: {  	[dreg:$0x4] =	wrdreg $0xC0  }
0xb1: {  	_ =	task [dreg:s7], $0x5FFFF  }
0xb2: {  	[dreg:$0x1] =	wrdreg $0xFFFFFFFF  }
0xb3: {  	[dreg:$0x0] =	wrdreg $0x60  }
0xb4: {  	[dreg:$0x2] =	wrdreg s24  }
0xb5: {  	[dreg:$0x3] =	wrdreg s16  }
0xb6: {  	[dreg:$0x4] =	wrdreg $0x9  }
0xb7: {  	_ =	task.clear_ibuf [dreg:s7], $0x5FFFF;
	_ =	strace $0x9000004C  }
0xb8: {  	s29 =	simm.s32 $0x9;
	_ =	strace $0x8000004E  }
0xb9: {  	_ =	swait.ge [sflag:s29], $0x1  }
0xba: {  	[sflag:s29] =	ssyncadd.s32 $0xFFFFFFFF  }
0xbb: {  	_ =	strace $0x9000004E  }
0xbc: {  	_ =	sfence  }
0xbd: {  	s30 =	sld [smem:$0x0];
	_ =	sdelay $0x2  }
0xbe: {  	s31 =	sshll.u32 s1, $0xD;
	s1 =	sshrl.u32 s1, $0x2  }
0xbf: {  	s3 =	sand.u32 $0x4000, s31;
	s1 =	sadd.s32 s1, s30  }
0xc0: {  	s0 =	sor.u32 s3, s0;
	s1 =	sshll.u32 s1, $0x11  }
0xc1: {  	s0 =	sor.u32 s1, s0  }
0xc2: {  	s0 =	sadd.s32 $0x8F2B, s0  }
0xc3: {  	[sflag:s0] =	ssyncadd.remote.s32 $0x1  }
0xc4: {  	_ =	sfence.sel $0xFFFF  }
0xc5: {  	[dreg:$0x0] =	wrdreg $0xFFFFFFFF;
	(pc) =	sbr.abs _section_cstart, $3  }
0xc6: {  	[dreg:$0x1] =	wrdreg $0xFFFFFFFF  }
0xc7: {  	_ =	task.clear_ibuf [dreg:s7], $0x2FFFF;
	_ =	strace $0x9FFFFFFF  }
0xc8: {  	(tm) =	ssettm $0x7FFFFFFF  }
0xc9: {  	_ =	shalt  }
tec
execute0_lowered:
.L_overlay_start_1:
0x0: {  	(tag) =	ssettag $0x1  }
0x1: {  	s4 =	rddreg [dreg:$0x0]  }
0x2: {  	s5 =	rddreg [dreg:$0x1]  }
0x3: {  	s0 =	rddreg [dreg:$0x2];
	s3 =	srdreg.scid  }
0x4: {  	s2 =	simm.s32 $0x0;
	s1 =	stileid.u32;
	s10 =	simm.s32 $0x1080  }
0x5: {  	s11 =	simm.s32 $0x1880;
	s12 =	simm.s32 $0x2080;
	s13 =	simm.s32 $0x2880  }
0x6: {  	s14 =	simm.s32 $0x3080;
	s15 =	simm.s32 $0x3880;
	s16 =	simm.s32 $0x4080  }
0x7: {  	s17 =	simm.s32 $0x4880;
	s18 =	simm.s32 $0x5080;
	s19 =	simm.s32 $0x5880  }
0x8: {  	s20 =	simm.s32 $0x6080;
	s21 =	simm.s32 $0x6880;
	s22 =	simm.s32 $0x7080  }
0x9: {  	s23 =	simm.s32 $0x7880;
	s24 =	simm.s32 $0x1;
	s3 =	sand.u32 $0x1, s3  }
0xa: {  	[smem:$0x7FF] =	sst s2;
	s6 =	sshll.u32 s1, $0x8;
	s7 =	sshll.u32 s3, $0x7  }
0xb: {  	_ =	strace $0x8000004D;
	s31 =	ssub.s32 $0x2, s3;
	s6 =	sor.u32 s7, s6  }
0xc: {  	s3 =	sadd.s32 $0x13A00, s4;
	s9 =	sshrl.u32 s31, $0x1;
	s8 =	sshrl.u32 s6, $0x3  }
0xd: {  	v2 =	vlaneseq.u32;
	s7 =	ssub.s32 s31, s9;
	s6 =	sshll.u32 s6, $0x5;
	s9 =	simm.s32 $0x880  }
0xe: {  	vm0 =	vmmov $0xffff;
	v1 =	vshrl.u32 v2, $0x3;
	s4 =	sadd.s32 s8, s4;
	s5 =	sadd.s32 s5, s6;
	s6 =	smax.u32 s7, $0x1  }
0xf: {  	v0 =	vand.u32 $0x7, v2;
	v2 =	vor.u32 $0x8, v2;
	v1 =	vmul.u32 $0x8, v1;
	s7 =	simm.s32 $0x2;
	s8 =	simm.s32 $0x80;
	s4 =	sadd.s32 $0x4400, s4  }
.LBB2_1:
0x10: {  	[tilespmem:s2], [sflag:$0x2] =	stream.linear.gather [hbm4b:s4+s2], $0x80, $0x38;
	[tilespmem:$0x8080] =	vst v63  }
0x11: {  	_ =	swait.ge [sflag:s7], $0x80  }
0x12: {  	[sflag:s7] =	ssyncset.done $0x0  }
0x13: {  	[sflag:s7] =	ssyncadd.s32 $0xFFFFFF80  }
0x14: {  	v3 =	vld [tilespmem:$0x0];
	_ =	sdelay $0x4  }
0x15: {  	v4 =	vshll.u32 v3, $0x1  }
0x16: {  	v3 =	vand.u32 $0x7, v3;
	v4 =	vand.u32 $0xFFFFFFF0, v4  }
0x17: {  	v3 =	vor.u32 v3, v4  }
0x18: {  	v4 =	vperm.xlane v3, v0;
	_ =	sdelay $0x1  }
0x19: {  	v3 =	vperm.xlane v3, v2;
	v4 =	vadd.s32 v1, v4;
	_ =	sdelay $0x1  }
0x1a: {  	v3 =	vadd.s32 v1, v3;
	_ =	sdelay $0x2  }
0x1b: {  	[tilespmem:s8], [sflag:$0x1] =	stream.indirect_vreg.gather [hbm4b:s3+s2], $0x80, v4, vm0, $0xb8;
	[tilespmem:$0x8080] =	vst v63  }
0x1c: {  	_ = 	snop  }
0x1d: {  	[tilespmem:s9], [sflag:$0x1] =	stream.indirect_vreg.gather [hbm4b:s3+s2], $0x80, v3, vm0, $0xb8;
	[tilespmem:$0x8080] =	vst v63  }
0x1e: {  	v3 =	vld [tilespmem:$0x10];
	_ =	sdelay $0x4  }
0x1f: {  	v57 =	vshll.u32 v3, $0x1  }
0x20: {  	v3 =	vand.u32 $0x7, v3;
	v4 =	vand.u32 $0xFFFFFFF0, v57  }
0x21: {  	v3 =	vor.u32 v3, v4  }
0x22: {  	v4 =	vperm.xlane v3, v0;
	_ =	sdelay $0x1  }
0x23: {  	v3 =	vperm.xlane v3, v2;
	v4 =	vadd.s32 v1, v4;
	_ =	sdelay $0x1  }
0x24: {  	v3 =	vadd.s32 v1, v3;
	_ =	sdelay $0x2  }
0x25: {  	[tilespmem:s10], [sflag:$0x1] =	stream.indirect_vreg.gather [hbm4b:s3+s2], $0x80, v4, vm0, $0xb8;
	[tilespmem:$0x8080] =	vst v63  }
0x26: {  	_ = 	snop  }
0x27: {  	[tilespmem:s11], [sflag:$0x1] =	stream.indirect_vreg.gather [hbm4b:s3+s2], $0x80, v3, vm0, $0xb8;
	[tilespmem:$0x8080] =	vst v63  }
0x28: {  	v3 =	vld [tilespmem:$0x20];
	_ =	sdelay $0x4  }
0x29: {  	v58 =	vshll.u32 v3, $0x1  }
0x2a: {  	v3 =	vand.u32 $0x7, v3;
	v4 =	vand.u32 $0xFFFFFFF0, v58  }
0x2b: {  	v3 =	vor.u32 v3, v4  }
0x2c: {  	v4 =	vperm.xlane v3, v0;
	_ =	sdelay $0x1  }
0x2d: {  	v3 =	vperm.xlane v3, v2;
	v4 =	vadd.s32 v1, v4;
	_ =	sdelay $0x1  }
0x2e: {  	v3 =	vadd.s32 v1, v3;
	_ =	sdelay $0x2  }
0x2f: {  	[tilespmem:s12], [sflag:$0x1] =	stream.indirect_vreg.gather [hbm4b:s3+s2], $0x80, v4, vm0, $0xb8;
	[tilespmem:$0x8080] =	vst v63  }
0x30: {  	_ = 	snop  }
0x31: {  	[tilespmem:s13], [sflag:$0x1] =	stream.indirect_vreg.gather [hbm4b:s3+s2], $0x80, v3, vm0, $0xb8;
	[tilespmem:$0x8080] =	vst v63  }
0x32: {  	v3 =	vld [tilespmem:$0x30];
	_ =	sdelay $0x4  }
0x33: {  	v59 =	vshll.u32 v3, $0x1  }
0x34: {  	v3 =	vand.u32 $0x7, v3;
	v4 =	vand.u32 $0xFFFFFFF0, v59  }
0x35: {  	v3 =	vor.u32 v3, v4  }
0x36: {  	v4 =	vperm.xlane v3, v0;
	_ =	sdelay $0x1  }
0x37: {  	v3 =	vperm.xlane v3, v2;
	v4 =	vadd.s32 v1, v4;
	_ =	sdelay $0x1  }
0x38: {  	v3 =	vadd.s32 v1, v3;
	_ =	sdelay $0x2  }
0x39: {  	[tilespmem:s14], [sflag:$0x1] =	stream.indirect_vreg.gather [hbm4b:s3+s2], $0x80, v4, vm0, $0xb8;
	[tilespmem:$0x8080] =	vst v63  }
0x3a: {  	_ = 	snop  }
0x3b: {  	[tilespmem:s15], [sflag:$0x1] =	stream.indirect_vreg.gather [hbm4b:s3+s2], $0x80, v3, vm0, $0xb8;
	[tilespmem:$0x8080] =	vst v63  }
0x3c: {  	v3 =	vld [tilespmem:$0x40];
	_ =	sdelay $0x4  }
0x3d: {  	v60 =	vshll.u32 v3, $0x1  }
0x3e: {  	v3 =	vand.u32 $0x7, v3;
	v4 =	vand.u32 $0xFFFFFFF0, v60  }
0x3f: {  	v3 =	vor.u32 v3, v4  }
0x40: {  	v4 =	vperm.xlane v3, v0;
	_ =	sdelay $0x1  }
0x41: {  	v3 =	vperm.xlane v3, v2;
	v4 =	vadd.s32 v1, v4;
	_ =	sdelay $0x1  }
0x42: {  	v3 =	vadd.s32 v1, v3;
	_ =	sdelay $0x2  }
0x43: {  	[tilespmem:s16], [sflag:$0x1] =	stream.indirect_vreg.gather [hbm4b:s3+s2], $0x80, v4, vm0, $0xb8;
	[tilespmem:$0x8080] =	vst v63  }
0x44: {  	_ = 	snop  }
0x45: {  	[tilespmem:s17], [sflag:$0x1] =	stream.indirect_vreg.gather [hbm4b:s3+s2], $0x80, v3, vm0, $0xb8;
	[tilespmem:$0x8080] =	vst v63  }
0x46: {  	v3 =	vld [tilespmem:$0x50];
	_ =	sdelay $0x4  }
0x47: {  	v61 =	vshll.u32 v3, $0x1  }
0x48: {  	v3 =	vand.u32 $0x7, v3;
	v4 =	vand.u32 $0xFFFFFFF0, v61  }
0x49: {  	v3 =	vor.u32 v3, v4  }
0x4a: {  	v4 =	vperm.xlane v3, v0;
	_ =	sdelay $0x1  }
0x4b: {  	v3 =	vperm.xlane v3, v2;
	v4 =	vadd.s32 v1, v4;
	_ =	sdelay $0x1  }
0x4c: {  	v3 =	vadd.s32 v1, v3;
	_ =	sdelay $0x2  }
0x4d: {  	[tilespmem:s18], [sflag:$0x1] =	stream.indirect_vreg.gather [hbm4b:s3+s2], $0x80, v4, vm0, $0xb8;
	[tilespmem:$0x8080] =	vst v63  }
0x4e: {  	_ = 	snop  }
0x4f: {  	[tilespmem:s19], [sflag:$0x1] =	stream.indirect_vreg.gather [hbm4b:s3+s2], $0x80, v3, vm0, $0xb8;
	[tilespmem:$0x8080] =	vst v63  }
0x50: {  	v3 =	vld [tilespmem:$0x60];
	_ =	sdelay $0x4  }
0x51: {  	v62 =	vshll.u32 v3, $0x1  }
0x52: {  	v3 =	vand.u32 $0x7, v3;
	v4 =	vand.u32 $0xFFFFFFF0, v62  }
0x53: {  	v3 =	vor.u32 v3, v4  }
0x54: {  	v4 =	vperm.xlane v3, v0;
	_ =	sdelay $0x1  }
0x55: {  	v3 =	vperm.xlane v3, v2;
	v4 =	vadd.s32 v1, v4;
	_ =	sdelay $0x1  }
0x56: {  	v3 =	vadd.s32 v1, v3;
	_ =	sdelay $0x2  }
0x57: {  	[tilespmem:s20], [sflag:$0x1] =	stream.indirect_vreg.gather [hbm4b:s3+s2], $0x80, v4, vm0, $0xb8;
	[tilespmem:$0x8080] =	vst v63  }
0x58: {  	_ = 	snop  }
0x59: {  	[tilespmem:s21], [sflag:$0x1] =	stream.indirect_vreg.gather [hbm4b:s3+s2], $0x80, v3, vm0, $0xb8;
	[tilespmem:$0x8080] =	vst v63  }
0x5a: {  	v3 =	vld [tilespmem:$0x70];
	_ =	sdelay $0x4  }
0x5b: {  	v63 =	vshll.u32 v3, $0x1  }
0x5c: {  	v3 =	vand.u32 $0x7, v3;
	v4 =	vand.u32 $0xFFFFFFF0, v63  }
0x5d: {  	v3 =	vor.u32 v3, v4  }
0x5e: {  	v4 =	vperm.xlane v3, v0;
	_ =	sdelay $0x1  }
0x5f: {  	v3 =	vperm.xlane v3, v2;
	v4 =	vadd.s32 v1, v4;
	_ =	sdelay $0x1  }
0x60: {  	v3 =	vadd.s32 v1, v3;
	_ =	sdelay $0x2  }
0x61: {  	[tilespmem:s22], [sflag:$0x1] =	stream.indirect_vreg.gather [hbm4b:s3+s2], $0x80, v4, vm0, $0xb8;
	[tilespmem:$0x8080] =	vst v63  }
0x62: {  	_ = 	snop  }
0x63: {  	[tilespmem:s23], [sflag:$0x1] =	stream.indirect_vreg.gather [hbm4b:s3+s2], $0x80, v3, vm0, $0xb8;
	[tilespmem:$0x8080] =	vst v63  }
0x64: {  	_ =	swait.ge [sflag:s24], $0x8000  }
0x65: {  	p0 =	sne.s32 s6, $0x1;
	[sflag:s24] =	ssyncset.done $0x0  }
.Ltmp0:
0x66: {  	[sflag:s24] =	ssyncadd.s32 $0xFFFF8000;
	(pc) =	sbr.rel @p0 .LBB2_1-.Ltmp0, $4  }
0x67: {  	[hbm4b:s5+s2] =	stream.linear.scatter [tilespmem:s8], [sflag:$0x2], $0x8000, $0x38;
	[tilespmem:$0x8080] =	vst v63  }
0x68: {  	_ =	swait.ge [sflag:s7], $0x8000  }
0x69: {  	[sflag:s7] =	ssyncset.done $0x0  }
0x6a: {  	s6 =	sadd.s32 $0xFFFFFFFF, s6;
	[sflag:s7] =	ssyncadd.s32 $0xFFFF8000  }
0x6b: {  	_ =	sfence.sel $0x180000  }
0x6c: {  	[bflag:$0x0] =	sbarrier.arrive $0xFFFF  }
0x6d: {  	p0 =	sne.s32 s1, $0x0;
	_ =	strace $0x9000004D  }
0x6e: {  	s0 =	sadd.s32 @!p0 $0x100000, s0;
	[bflag:$0x2] =	sbarrier.arrive $0xFFFF  }
0x6f: {  	[sflag:s0] =	ssyncadd.tile.s32 @!p0 $0x1;
	_ =	shalt  }
.Lfunc_end2:
_tile_overlayer_lowered:
.L_overlay_start_2:
0x70: {  	(tag) =	ssettag $0x2  }
0x71: {  	s0 =	rddreg [dreg:$0x0];
	s2 =	stileid.u32  }
0x72: {  	s1 =	rddreg [dreg:$0x1];
	p0 =	sne.s32 s2, $0x0  }
0x73: {  	s3 =	rddreg [dreg:$0x2];
	[bflag:$0x3] =	sbarrier.arrive $0xFFFF;
	s2 =	simm.s32 @!p0 $0x1C02  }
0x74: {  	[timem:s3], [sflag:s2] =	dma.local @!p0 [hbm:s0], s1  }
0x75: {  	s0 =	simm.s32 @!p0 $0x2  }
0x76: {  	_ =	swait.ge @!p0 [sflag:s0], s1  }
0x77: {  	s1 =	ssub.s32 @!p0 $0x0, s1;
	[sflag:s0] =	ssyncset.done @!p0 $0x0  }
0x78: {  	[sflag:s0] =	ssyncadd.s32 @!p0 s1  }
0x79: {  	[bflag:$0x3] =	sbarrier.arrive $0xFFFF  }
0x7a: {  	_ =	shalt  }

// kernel: kernel.23.cloned.1.call-start
scs
__scs_entry_jumppad:
0x0: {  	(pc) =	sbr.rel $0x88, $3  }
0x1: {  	(tag) =	ssettag $0x0;
	lr =	simm.s32 $0x1  }
0x2: {  	[smem:$0x3F9F] =	sst lr;
	_ =	strace $0xD0000000  }
0x3: {  	_ = 	snop  }
0x4: {  	_ = 	snop  }
0x5: {  	_ = 	snop  }
0x6: {  	_ = 	snop  }
0x7: {  	_ = 	snop  }
__scs_overlays_trampoline_lowered:
0x8: {  	[smem:$0x3FAE] =	sst s0  }
0x9: {  	[smem:$0x3FAF] =	sst s1  }
0xa: {  	[smem:$0x3FB0] =	sst s2  }
0xb: {  	[smem:$0x3FB1] =	sst s3  }
0xc: {  	[smem:$0x3FB2] =	sst s4  }
0xd: {  	[smem:$0x3FB3] =	sst s5  }
0xe: {  	[smem:$0x3FB4] =	sst s6  }
0xf: {  	[smem:$0x3FB5] =	sst s7  }
0x10: {  	[smem:$0x3FB6] =	sst s8  }
0x11: {  	[smem:$0x3FB7] =	sst s9;
	s0 =	simm.s32 @!p0 $0x0  }
0x12: {  	s1 =	sld [smem:$0x3F9D];
	s0 =	simm.s32 @p0 $0x1  }
0x13: {  	[smem:$0x3FB8] =	sst s0;
	s0 =	simm.s32 @!p1 $0x0  }
0x14: {  	s2 =	sld [smem:$0x3F9C];
	s0 =	simm.s32 @p1 $0x1  }
0x15: {  	[smem:$0x3FB9] =	sst s0;
	s0 =	simm.s32 @!p2 $0x0  }
0x16: {  	s3 =	sld [smem:$0x3FDB];
	s0 =	simm.s32 @p2 $0x1  }
0x17: {  	s4 =	simm.s32 $0x1BF5;
	[smem:$0x3FBB] =	sst s0  }
0x18: {  	s0 =	sld [smem:$0x3F9E];
	_ =	swait.ge [sflag:s4], $0x0  }
0x19: {  	s7 =	sld [smem:$0x3F9F]  }
0x1a: {  	s8 =	sadd.s32 $0xFFFFE003, lr  }
0x1b: {  	s9 =	sadd.s32 $0xFFFFFEF7, lr;
	s5 =	simm.s32 $0xFFFFFFFF;
	p2 =	slt.u32 s8, $0xFFFFF086  }
0x1c: {  	p1 =	slt.u32 s9, $0xF7A;
	s5 =	simm.s32 @!p2 $0x0  }
0x1d: {  	s5 =	simm.s32 @p1 $0x1;
	p0 =	seq.s32 s7, s2  }
0x1e: {  	s7 =	smul.u32 @!p0 $0xF7A, s2;
	p2 =	seq.s32 @!p0 s5, $0x0  }
0x1f: {  	s9 =	smul.u32 $0xF7A, s1;
	s8 =	simm.s32 @!p0 $0x1BF5;
	p2 =	por !p2, p0  }
0x20: {  	[sflag:s8] =	ssyncset.s32 @!p0 $0xFFFFF086;
	s6 =	sadd.s32 @!p0 s3, s7;
	s7 =	simm.s32 @!p0 $0x108  }
0x21: {  	s3 =	sadd.s32 s3, s9;
	s6 =	sadd.s32 @!p0 $0x88, s6;
	s7 =	simm.s32 @p2 $0x1082  }
0x22: {  	[simem:s7], [sflag:s8] =	dma.local @!p0 [hbm:s6], $0xF7A  }
0x23: {  	s9 =	sor.u32 $0xD0000000, s2;
	s6 =	simm.s32 $0x108;
	_ =	swait.ge @!p0 [sflag:s8], $0x0  }
0x24: {  	s3 =	sadd.s32 $0x88, s3;
	s6 =	simm.s32 @!p1 $0x1082;
	[sflag:s4] =	ssyncset.s32 $0xFFFFF086  }
0x25: {  	[simem:s6], [sflag:s4] =	dma.local [hbm:s3], $0xF7A  }
0x26: {  	[smem:$0x3F9F] =	sst s1;
	(tag) =	ssettag s2;
	_ =	strace s9  }
0x27: {  	s1 =	sld [smem:$0x3FAF]  }
0x28: {  	s2 =	sld [smem:$0x3FB0]  }
0x29: {  	s4 =	sld [smem:$0x3FB2]  }
0x2a: {  	p0 =	seq.s32 s5, $0x0;
	s5 =	sld [smem:$0x3FB3]  }
0x2b: {  	s6 =	sld [smem:$0x3FB4]  }
0x2c: {  	s7 =	sld [smem:$0x3FB5]  }
0x2d: {  	s3 =	simm.s32 $0x108;
	s8 =	sld [smem:$0x3FB6]  }
0x2e: {  	s3 =	simm.s32 @!p0 $0x1082;
	s9 =	sld [smem:$0x3FB7]  }
0x2f: {  	lr =	sadd.s32 s0, s3;
	s0 =	sld [smem:$0x3FAE]  }
0x30: {  	s3 =	sld [smem:$0x3FB1]  }
0x31: {  	[smem:$0x3FBA] =	sst s10  }
0x32: {  	s10 =	sld [smem:$0x3FB8];
	_ =	sdelay $0x3  }
0x33: {  	p0 =	seq.s32 s10, $0x1;
	s10 =	sld [smem:$0x3FBA];
	_ =	sdelay $0x3  }
0x34: {  	[smem:$0x3FBA] =	sst s10  }
0x35: {  	s10 =	sld [smem:$0x3FB9];
	_ =	sdelay $0x3  }
0x36: {  	p1 =	seq.s32 s10, $0x1;
	s10 =	sld [smem:$0x3FBA];
	_ =	sdelay $0x3  }
0x37: {  	[smem:$0x3FBA] =	sst s10  }
0x38: {  	s10 =	sld [smem:$0x3FBB]  }
0x39: {  	_ = 	snop;
	(pc) =	sbr.ind lr, $3  }
0x3a: {  	_ = 	snop  }
0x3b: {  	_ = 	snop  }
0x3c: {  	p2 =	seq.s32 s10, $0x1;
	s10 =	sld [smem:$0x3FBA]  }
0x3d: {  	_ =	shalt  }
0x3e: {  	_ =	shalt  }
0x3f: {  	_ =	shalt  }
0x40: {  	_ =	shalt  }
0x41: {  	_ =	shalt  }
0x42: {  	_ =	shalt  }
0x43: {  	_ =	shalt  }
0x44: {  	_ =	shalt  }
0x45: {  	_ =	shalt  }
0x46: {  	_ =	shalt  }
0x47: {  	_ =	shalt  }
0x48: {  	_ =	shalt  }
0x49: {  	_ =	shalt  }
0x4a: {  	_ =	shalt  }
0x4b: {  	_ =	shalt  }
0x4c: {  	_ =	shalt  }
0x4d: {  	_ =	shalt  }
0x4e: {  	_ =	shalt  }
0x4f: {  	_ =	shalt  }
0x50: {  	_ =	shalt  }
0x51: {  	_ =	shalt  }
0x52: {  	_ =	shalt  }
0x53: {  	_ =	shalt  }
0x54: {  	_ =	shalt  }
0x55: {  	_ =	shalt  }
0x56: {  	_ =	shalt  }
0x57: {  	_ =	shalt  }
0x58: {  	_ =	shalt  }
0x59: {  	_ =	shalt  }
0x5a: {  	_ =	shalt  }
0x5b: {  	_ =	shalt  }
0x5c: {  	_ =	shalt  }
0x5d: {  	_ =	shalt  }
0x5e: {  	_ =	shalt  }
0x5f: {  	_ =	shalt  }
0x60: {  	_ =	shalt  }
0x61: {  	_ =	shalt  }
0x62: {  	_ =	shalt  }
0x63: {  	_ =	shalt  }
0x64: {  	_ =	shalt  }
0x65: {  	_ =	shalt  }
0x66: {  	_ =	shalt  }
0x67: {  	_ =	shalt  }
0x68: {  	_ =	shalt  }
0x69: {  	_ =	shalt  }
0x6a: {  	_ =	shalt  }
0x6b: {  	_ =	shalt  }
0x6c: {  	_ =	shalt  }
0x6d: {  	_ =	shalt  }
0x6e: {  	_ =	shalt  }
0x6f: {  	_ =	shalt  }
0x70: {  	_ =	shalt  }
0x71: {  	_ =	shalt  }
0x72: {  	_ =	shalt  }
0x73: {  	_ =	shalt  }
0x74: {  	_ =	shalt  }
0x75: {  	_ =	shalt  }
0x76: {  	_ =	shalt  }
0x77: {  	_ =	shalt  }
0x78: {  	_ =	shalt  }
0x79: {  	_ =	shalt  }
0x7a: {  	_ =	shalt  }
0x7b: {  	_ =	shalt  }
0x7c: {  	_ =	shalt  }
0x7d: {  	_ =	shalt  }
0x7e: {  	_ =	shalt  }
0x7f: {  	_ =	shalt  }
0x80: {  	_ =	shalt  }
0x81: {  	_ =	shalt  }
0x82: {  	_ =	shalt  }
0x83: {  	_ =	shalt  }
0x84: {  	_ =	shalt  }
0x85: {  	_ =	shalt  }
0x86: {  	_ =	shalt  }
0x87: {  	_ =	shalt  }
.Lfunc_end0:
.L_simem_size_0:
called_computation.3_lowered:
.L_overlay_start_0:
0x88: {  	s2 =	sld [smem:$0x3FD9]  }
0x89: {  	s3 =	sld [smem:$0x3FFE];
	_ =	sdelay $0x1  }
0x8a: {  	s1 =	srdreg.scid  }
0x8b: {  	s0 =	sand.u32 $0x1, s1  }
0x8c: {  	s14 =	sshll.u32 s0, $0xA;
	s2 =	sadd.s32 s3, s2  }
0x8d: {  	s2 =	sadd.s32 s2, s14  }
0x8e: {  	[smem:$0x3FC6] =	sst s2  }
0x8f: {  	_ = 	snop  }
0x90: {  	s2 =	sld [smem:$0x3FD0];
	_ =	sdelay $0x2  }
0x91: {  	s15 =	simm.s32 $0xA;
	s4 =	simm.s32 $0x10  }
0x92: {  	[smem:s4], [sflag:s15] =	dma.local [hbm:s2], $0x1  }
0x93: {  	_ =	swait.eq [sflag:s15], $0x1  }
0x94: {  	[sflag:s15] =	ssyncset.done $0x0  }
0x95: {  	[sflag:s15] =	ssyncadd.s32 $0xFFFFFFFF  }
0x96: {  	s16 =	sld [smem:$0x10];
	(tm) =	ssettm $0x1  }
0x97: {  	s17 =	sld [smem:$0x3FFB];
	_ =	sdelay $0x3  }
0x98: {  	_ =	strace s17  }
0x99: {  	s3 =	sld [smem:$0x3FFC];
	_ =	sdelay $0x3  }
0x9a: {  	_ =	strace s3  }
0x9b: {  	s3 =	sld [smem:$0x3FFD];
	_ =	sdelay $0x3  }
0x9c: {  	_ =	strace s3  }
0x9d: {  	_ =	strace $0x8FFFFFFF  }
0x9e: {  	s18 =	sld [smem:$0x3FDB];
	_ =	sdelay $0x1  }
0x9f: {  	s19 =	simm.s32 $_scs_section_size  }
0xa0: {  	s5 =	simm.s32 $_size__tile_overlayer_lowered;
	s6 =	simm.s32 $_tile_overlayer_lowered  }
0xa1: {  	s22 =	simm.s32 $0x1BFF;
	s21 =	sshll.u32 s6, $0x1;
	s3 =	sadd.s32 s19, s18  }
0xa2: {  	s7 =	simm.s32 $0x0;
	s20 =	sshll.u32 s5, $0x1;
	s5 =	sadd.s32 s21, s3  }
0xa3: {  	[timem:s7], [sflag:s22] =	dma.local [hbm:s5], s20  }
0xa4: {  	_ =	swait.ge [sflag:s22], s20  }
0xa5: {  	s4 =	ssub.s32 $0x0, s20;
	[sflag:s22] =	ssyncset.done $0x0  }
0xa6: {  	[sflag:s22] =	ssyncadd.s32 s4;
	_ =	sdelay $0x1  }
0xa7: {  	s23 =	simm.s32 $0x1B8B  }
0xa8: {  	_ =	swait.ge [sflag:s23], $0x1  }
0xa9: {  	[sflag:s23] =	ssyncset.done $0x0  }
0xaa: {  	s25 =	simm.s32 $0x1B8E;
	s24 =	sld [smem:$0x3FFE];
	[sflag:s23] =	ssyncadd.s32 $0xFFFFFFFF  }
0xab: {  	s26 =	simm.s32 $execute0_lowered;
	[smem:$0x3FD2] =	sst s25  }
0xac: {  	s5 =	sshll.u32 s26, $0x1;
	_ =	strace $0x8000004F;
	[dreg:$0x1] =	wrdreg $0xFFFFFFFF  }
0xad: {  	s28 =	simm.s32 $_size_execute0_lowered;
	s3 =	sadd.s32 s3, s5;
	[dreg:$0x0] =	wrdreg $0x0  }
0xae: {  	s5 =	sshll.u32 s28, $0x1;
	[dreg:$0x2] =	wrdreg s3  }
0xaf: {  	[dreg:$0x3] =	wrdreg s5  }
0xb0: {  	[dreg:$0x4] =	wrdreg $0xC0  }
0xb1: {  	_ =	task [dreg:s7], $0x5FFFF  }
0xb2: {  	[dreg:$0x1] =	wrdreg $0xFFFFFFFF  }
0xb3: {  	[dreg:$0x0] =	wrdreg $0x60  }
0xb4: {  	[dreg:$0x2] =	wrdreg s24  }
0xb5: {  	[dreg:$0x3] =	wrdreg s16  }
0xb6: {  	[dreg:$0x4] =	wrdreg $0x9  }
0xb7: {  	_ =	task.clear_ibuf [dreg:s7], $0x5FFFF;
	_ =	strace $0x9000004F  }
0xb8: {  	s29 =	simm.s32 $0x9;
	_ =	strace $0x80000051  }
0xb9: {  	_ =	swait.ge [sflag:s29], $0x1  }
0xba: {  	[sflag:s29] =	ssyncadd.s32 $0xFFFFFFFF  }
0xbb: {  	_ =	strace $0x90000051  }
0xbc: {  	_ =	sfence  }
0xbd: {  	s30 =	sld [smem:$0x0];
	_ =	sdelay $0x2  }
0xbe: {  	s31 =	sshll.u32 s1, $0xD;
	s1 =	sshrl.u32 s1, $0x2  }
0xbf: {  	s3 =	sand.u32 $0x4000, s31;
	s1 =	sadd.s32 s1, s30  }
0xc0: {  	s0 =	sor.u32 s3, s0;
	s1 =	sshll.u32 s1, $0x11  }
0xc1: {  	s0 =	sor.u32 s1, s0  }
0xc2: {  	s0 =	sadd.s32 $0x8F2B, s0  }
0xc3: {  	[sflag:s0] =	ssyncadd.remote.s32 $0x1  }
0xc4: {  	_ =	sfence.sel $0xFFFF  }
0xc5: {  	[dreg:$0x0] =	wrdreg $0xFFFFFFFF;
	(pc) =	sbr.abs _section_cstart, $3  }
0xc6: {  	[dreg:$0x1] =	wrdreg $0xFFFFFFFF  }
0xc7: {  	_ =	task.clear_ibuf [dreg:s7], $0x2FFFF;
	_ =	strace $0x9FFFFFFF  }
0xc8: {  	(tm) =	ssettm $0x7FFFFFFF  }
0xc9: {  	_ =	shalt  }
tec
execute0_lowered:
.L_overlay_start_1:
0x0: {  	(tag) =	ssettag $0x1  }
0x1: {  	s4 =	rddreg [dreg:$0x0]  }
0x2: {  	s5 =	rddreg [dreg:$0x1]  }
0x3: {  	s0 =	rddreg [dreg:$0x2];
	s3 =	srdreg.scid  }
0x4: {  	s2 =	simm.s32 $0x0;
	s1 =	stileid.u32;
	s10 =	simm.s32 $0x1080  }
0x5: {  	s11 =	simm.s32 $0x1880;
	s12 =	simm.s32 $0x2080;
	s13 =	simm.s32 $0x2880  }
0x6: {  	s14 =	simm.s32 $0x3080;
	s15 =	simm.s32 $0x3880;
	s16 =	simm.s32 $0x4080  }
0x7: {  	s17 =	simm.s32 $0x4880;
	s18 =	simm.s32 $0x5080;
	s19 =	simm.s32 $0x5880  }
0x8: {  	s20 =	simm.s32 $0x6080;
	s21 =	simm.s32 $0x6880;
	s22 =	simm.s32 $0x7080  }
0x9: {  	s23 =	simm.s32 $0x7880;
	s24 =	simm.s32 $0x1;
	s3 =	sand.u32 $0x1, s3  }
0xa: {  	[smem:$0x7FF] =	sst s2;
	s6 =	sshll.u32 s1, $0x8;
	s7 =	sshll.u32 s3, $0x7  }
0xb: {  	_ =	strace $0x80000050;
	s31 =	ssub.s32 $0x2, s3;
	s6 =	sor.u32 s7, s6  }
0xc: {  	s3 =	sadd.s32 $0x1BA00, s4;
	s9 =	sshrl.u32 s31, $0x1;
	s8 =	sshrl.u32 s6, $0x3  }
0xd: {  	v2 =	vlaneseq.u32;
	s7 =	ssub.s32 s31, s9;
	s6 =	sshll.u32 s6, $0x5;
	s9 =	simm.s32 $0x880  }
0xe: {  	vm0 =	vmmov $0xffff;
	v1 =	vshrl.u32 v2, $0x3;
	s4 =	sadd.s32 s8, s4;
	s5 =	sadd.s32 s5, s6;
	s6 =	smax.u32 s7, $0x1  }
0xf: {  	v0 =	vand.u32 $0x7, v2;
	v2 =	vor.u32 $0x8, v2;
	v1 =	vmul.u32 $0x8, v1;
	s7 =	simm.s32 $0x2;
	s8 =	simm.s32 $0x80;
	s4 =	sadd.s32 $0x4A00, s4  }
.LBB2_1:
0x10: {  	[tilespmem:s2], [sflag:$0x2] =	stream.linear.gather [hbm4b:s4+s2], $0x80, $0x38;
	[tilespmem:$0x8080] =	vst v63  }
0x11: {  	_ =	swait.ge [sflag:s7], $0x80  }
0x12: {  	[sflag:s7] =	ssyncset.done $0x0  }
0x13: {  	[sflag:s7] =	ssyncadd.s32 $0xFFFFFF80  }
0x14: {  	v3 =	vld [tilespmem:$0x0];
	_ =	sdelay $0x4  }
0x15: {  	v4 =	vshll.u32 v3, $0x1  }
0x16: {  	v3 =	vand.u32 $0x7, v3;
	v4 =	vand.u32 $0xFFFFFFF0, v4  }
0x17: {  	v3 =	vor.u32 v3, v4  }
0x18: {  	v4 =	vperm.xlane v3, v0;
	_ =	sdelay $0x1  }
0x19: {  	v3 =	vperm.xlane v3, v2;
	v4 =	vadd.s32 v1, v4;
	_ =	sdelay $0x1  }
0x1a: {  	v3 =	vadd.s32 v1, v3;
	_ =	sdelay $0x2  }
0x1b: {  	[tilespmem:s8], [sflag:$0x1] =	stream.indirect_vreg.gather [hbm4b:s3+s2], $0x80, v4, vm0, $0xb8;
	[tilespmem:$0x8080] =	vst v63  }
0x1c: {  	_ = 	snop  }
0x1d: {  	[tilespmem:s9], [sflag:$0x1] =	stream.indirect_vreg.gather [hbm4b:s3+s2], $0x80, v3, vm0, $0xb8;
	[tilespmem:$0x8080] =	vst v63  }
0x1e: {  	v3 =	vld [tilespmem:$0x10];
	_ =	sdelay $0x4  }
0x1f: {  	v57 =	vshll.u32 v3, $0x1  }
0x20: {  	v3 =	vand.u32 $0x7, v3;
	v4 =	vand.u32 $0xFFFFFFF0, v57  }
0x21: {  	v3 =	vor.u32 v3, v4  }
0x22: {  	v4 =	vperm.xlane v3, v0;
	_ =	sdelay $0x1  }
0x23: {  	v3 =	vperm.xlane v3, v2;
	v4 =	vadd.s32 v1, v4;
	_ =	sdelay $0x1  }
0x24: {  	v3 =	vadd.s32 v1, v3;
	_ =	sdelay $0x2  }
0x25: {  	[tilespmem:s10], [sflag:$0x1] =	stream.indirect_vreg.gather [hbm4b:s3+s2], $0x80, v4, vm0, $0xb8;
	[tilespmem:$0x8080] =	vst v63  }
0x26: {  	_ = 	snop  }
0x27: {  	[tilespmem:s11], [sflag:$0x1] =	stream.indirect_vreg.gather [hbm4b:s3+s2], $0x80, v3, vm0, $0xb8;
	[tilespmem:$0x8080] =	vst v63  }
0x28: {  	v3 =	vld [tilespmem:$0x20];
	_ =	sdelay $0x4  }
0x29: {  	v58 =	vshll.u32 v3, $0x1  }
0x2a: {  	v3 =	vand.u32 $0x7, v3;
	v4 =	vand.u32 $0xFFFFFFF0, v58  }
0x2b: {  	v3 =	vor.u32 v3, v4  }
0x2c: {  	v4 =	vperm.xlane v3, v0;
	_ =	sdelay $0x1  }
0x2d: {  	v3 =	vperm.xlane v3, v2;
	v4 =	vadd.s32 v1, v4;
	_ =	sdelay $0x1  }
0x2e: {  	v3 =	vadd.s32 v1, v3;
	_ =	sdelay $0x2  }
0x2f: {  	[tilespmem:s12], [sflag:$0x1] =	stream.indirect_vreg.gather [hbm4b:s3+s2], $0x80, v4, vm0, $0xb8;
	[tilespmem:$0x8080] =	vst v63  }
0x30: {  	_ = 	snop  }
0x31: {  	[tilespmem:s13], [sflag:$0x1] =	stream.indirect_vreg.gather [hbm4b:s3+s2], $0x80, v3, vm0, $0xb8;
	[tilespmem:$0x8080] =	vst v63  }
0x32: {  	v3 =	vld [tilespmem:$0x30];
	_ =	sdelay $0x4  }
0x33: {  	v59 =	vshll.u32 v3, $0x1  }
0x34: {  	v3 =	vand.u32 $0x7, v3;
	v4 =	vand.u32 $0xFFFFFFF0, v59  }
0x35: {  	v3 =	vor.u32 v3, v4  }
0x36: {  	v4 =	vperm.xlane v3, v0;
	_ =	sdelay $0x1  }
0x37: {  	v3 =	vperm.xlane v3, v2;
	v4 =	vadd.s32 v1, v4;
	_ =	sdelay $0x1  }
0x38: {  	v3 =	vadd.s32 v1, v3;
	_ =	sdelay $0x2  }
0x39: {  	[tilespmem:s14], [sflag:$0x1] =	stream.indirect_vreg.gather [hbm4b:s3+s2], $0x80, v4, vm0, $0xb8;
	[tilespmem:$0x8080] =	vst v63  }
0x3a: {  	_ = 	snop  }
0x3b: {  	[tilespmem:s15], [sflag:$0x1] =	stream.indirect_vreg.gather [hbm4b:s3+s2], $0x80, v3, vm0, $0xb8;
	[tilespmem:$0x8080] =	vst v63  }
0x3c: {  	v3 =	vld [tilespmem:$0x40];
	_ =	sdelay $0x4  }
0x3d: {  	v60 =	vshll.u32 v3, $0x1  }
0x3e: {  	v3 =	vand.u32 $0x7, v3;
	v4 =	vand.u32 $0xFFFFFFF0, v60  }
0x3f: {  	v3 =	vor.u32 v3, v4  }
0x40: {  	v4 =	vperm.xlane v3, v0;
	_ =	sdelay $0x1  }
0x41: {  	v3 =	vperm.xlane v3, v2;
	v4 =	vadd.s32 v1, v4;
	_ =	sdelay $0x1  }
0x42: {  	v3 =	vadd.s32 v1, v3;
	_ =	sdelay $0x2  }
0x43: {  	[tilespmem:s16], [sflag:$0x1] =	stream.indirect_vreg.gather [hbm4b:s3+s2], $0x80, v4, vm0, $0xb8;
	[tilespmem:$0x8080] =	vst v63  }
0x44: {  	_ = 	snop  }
0x45: {  	[tilespmem:s17], [sflag:$0x1] =	stream.indirect_vreg.gather [hbm4b:s3+s2], $0x80, v3, vm0, $0xb8;
	[tilespmem:$0x8080] =	vst v63  }
0x46: {  	v3 =	vld [tilespmem:$0x50];
	_ =	sdelay $0x4  }
0x47: {  	v61 =	vshll.u32 v3, $0x1  }
0x48: {  	v3 =	vand.u32 $0x7, v3;
	v4 =	vand.u32 $0xFFFFFFF0, v61  }
0x49: {  	v3 =	vor.u32 v3, v4  }
0x4a: {  	v4 =	vperm.xlane v3, v0;
	_ =	sdelay $0x1  }
0x4b: {  	v3 =	vperm.xlane v3, v2;
	v4 =	vadd.s32 v1, v4;
	_ =	sdelay $0x1  }
0x4c: {  	v3 =	vadd.s32 v1, v3;
	_ =	sdelay $0x2  }
0x4d: {  	[tilespmem:s18], [sflag:$0x1] =	stream.indirect_vreg.gather [hbm4b:s3+s2], $0x80, v4, vm0, $0xb8;
	[tilespmem:$0x8080] =	vst v63  }
0x4e: {  	_ = 	snop  }
0x4f: {  	[tilespmem:s19], [sflag:$0x1] =	stream.indirect_vreg.gather [hbm4b:s3+s2], $0x80, v3, vm0, $0xb8;
	[tilespmem:$0x8080] =	vst v63  }
0x50: {  	v3 =	vld [tilespmem:$0x60];
	_ =	sdelay $0x4  }
0x51: {  	v62 =	vshll.u32 v3, $0x1  }
0x52: {  	v3 =	vand.u32 $0x7, v3;
	v4 =	vand.u32 $0xFFFFFFF0, v62  }
0x53: {  	v3 =	vor.u32 v3, v4  }
0x54: {  	v4 =	vperm.xlane v3, v0;
	_ =	sdelay $0x1  }
0x55: {  	v3 =	vperm.xlane v3, v2;
	v4 =	vadd.s32 v1, v4;
	_ =	sdelay $0x1  }
0x56: {  	v3 =	vadd.s32 v1, v3;
	_ =	sdelay $0x2  }
0x57: {  	[tilespmem:s20], [sflag:$0x1] =	stream.indirect_vreg.gather [hbm4b:s3+s2], $0x80, v4, vm0, $0xb8;
	[tilespmem:$0x8080] =	vst v63  }
0x58: {  	_ = 	snop  }
0x59: {  	[tilespmem:s21], [sflag:$0x1] =	stream.indirect_vreg.gather [hbm4b:s3+s2], $0x80, v3, vm0, $0xb8;
	[tilespmem:$0x8080] =	vst v63  }
0x5a: {  	v3 =	vld [tilespmem:$0x70];
	_ =	sdelay $0x4  }
0x5b: {  	v63 =	vshll.u32 v3, $0x1  }
0x5c: {  	v3 =	vand.u32 $0x7, v3;
	v4 =	vand.u32 $0xFFFFFFF0, v63  }
0x5d: {  	v3 =	vor.u32 v3, v4  }
0x5e: {  	v4 =	vperm.xlane v3, v0;
	_ =	sdelay $0x1  }
0x5f: {  	v3 =	vperm.xlane v3, v2;
	v4 =	vadd.s32 v1, v4;
	_ =	sdelay $0x1  }
0x60: {  	v3 =	vadd.s32 v1, v3;
	_ =	sdelay $0x2  }
0x61: {  	[tilespmem:s22], [sflag:$0x1] =	stream.indirect_vreg.gather [hbm4b:s3+s2], $0x80, v4, vm0, $0xb8;
	[tilespmem:$0x8080] =	vst v63  }
0x62: {  	_ = 	snop  }
0x63: {  	[tilespmem:s23], [sflag:$0x1] =	stream.indirect_vreg.gather [hbm4b:s3+s2], $0x80, v3, vm0, $0xb8;
	[tilespmem:$0x8080] =	vst v63  }
0x64: {  	_ =	swait.ge [sflag:s24], $0x8000  }
0x65: {  	p0 =	sne.s32 s6, $0x1;
	[sflag:s24] =	ssyncset.done $0x0  }
.Ltmp0:
0x66: {  	[sflag:s24] =	ssyncadd.s32 $0xFFFF8000;
	(pc) =	sbr.rel @p0 .LBB2_1-.Ltmp0, $4  }
0x67: {  	[hbm4b:s5+s2] =	stream.linear.scatter [tilespmem:s8], [sflag:$0x2], $0x8000, $0x38;
	[tilespmem:$0x8080] =	vst v63  }
0x68: {  	_ =	swait.ge [sflag:s7], $0x8000  }
0x69: {  	[sflag:s7] =	ssyncset.done $0x0  }
0x6a: {  	s6 =	sadd.s32 $0xFFFFFFFF, s6;
	[sflag:s7] =	ssyncadd.s32 $0xFFFF8000  }
0x6b: {  	_ =	sfence.sel $0x180000  }
0x6c: {  	[bflag:$0x0] =	sbarrier.arrive $0xFFFF  }
0x6d: {  	p0 =	sne.s32 s1, $0x0;
	_ =	strace $0x90000050  }
0x6e: {  	s0 =	sadd.s32 @!p0 $0x100000, s0;
	[bflag:$0x2] =	sbarrier.arrive $0xFFFF  }
0x6f: {  	[sflag:s0] =	ssyncadd.tile.s32 @!p0 $0x1;
	_ =	shalt  }
.Lfunc_end2:
_tile_overlayer_lowered:
.L_overlay_start_2:
0x70: {  	(tag) =	ssettag $0x2  }
0x71: {  	s0 =	rddreg [dreg:$0x0];
	s2 =	stileid.u32  }
0x72: {  	s1 =	rddreg [dreg:$0x1];
	p0 =	sne.s32 s2, $0x0  }
0x73: {  	s3 =	rddreg [dreg:$0x2];
	[bflag:$0x3] =	sbarrier.arrive $0xFFFF;
	s2 =	simm.s32 @!p0 $0x1C02  }
0x74: {  	[timem:s3], [sflag:s2] =	dma.local @!p0 [hbm:s0], s1  }
0x75: {  	s0 =	simm.s32 @!p0 $0x2  }
0x76: {  	_ =	swait.ge @!p0 [sflag:s0], s1  }
0x77: {  	s1 =	ssub.s32 @!p0 $0x0, s1;
	[sflag:s0] =	ssyncset.done @!p0 $0x0  }
0x78: {  	[sflag:s0] =	ssyncadd.s32 @!p0 s1  }
0x79: {  	[bflag:$0x3] =	sbarrier.arrive $0xFFFF  }
0x7a: {  	_ =	shalt  }

// kernel: kernel.26.cloned.1.call-start
scs
__scs_entry_jumppad:
0x0: {  	(pc) =	sbr.rel $0x88, $3  }
0x1: {  	(tag) =	ssettag $0x0;
	lr =	simm.s32 $0x1  }
0x2: {  	[smem:$0x3F9F] =	sst lr;
	_ =	strace $0xD0000000  }
0x3: {  	_ = 	snop  }
0x4: {  	_ = 	snop  }
0x5: {  	_ = 	snop  }
0x6: {  	_ = 	snop  }
0x7: {  	_ = 	snop  }
__scs_overlays_trampoline_lowered:
0x8: {  	[smem:$0x3FAE] =	sst s0  }
0x9: {  	[smem:$0x3FAF] =	sst s1  }
0xa: {  	[smem:$0x3FB0] =	sst s2  }
0xb: {  	[smem:$0x3FB1] =	sst s3  }
0xc: {  	[smem:$0x3FB2] =	sst s4  }
0xd: {  	[smem:$0x3FB3] =	sst s5  }
0xe: {  	[smem:$0x3FB4] =	sst s6  }
0xf: {  	[smem:$0x3FB5] =	sst s7  }
0x10: {  	[smem:$0x3FB6] =	sst s8  }
0x11: {  	[smem:$0x3FB7] =	sst s9;
	s0 =	simm.s32 @!p0 $0x0  }
0x12: {  	s1 =	sld [smem:$0x3F9D];
	s0 =	simm.s32 @p0 $0x1  }
0x13: {  	[smem:$0x3FB8] =	sst s0;
	s0 =	simm.s32 @!p1 $0x0  }
0x14: {  	s2 =	sld [smem:$0x3F9C];
	s0 =	simm.s32 @p1 $0x1  }
0x15: {  	[smem:$0x3FB9] =	sst s0;
	s0 =	simm.s32 @!p2 $0x0  }
0x16: {  	s3 =	sld [smem:$0x3FDB];
	s0 =	simm.s32 @p2 $0x1  }
0x17: {  	s4 =	simm.s32 $0x1BF5;
	[smem:$0x3FBB] =	sst s0  }
0x18: {  	s0 =	sld [smem:$0x3F9E];
	_ =	swait.ge [sflag:s4], $0x0  }
0x19: {  	s7 =	sld [smem:$0x3F9F]  }
0x1a: {  	s8 =	sadd.s32 $0xFFFFE003, lr  }
0x1b: {  	s9 =	sadd.s32 $0xFFFFFEF7, lr;
	s5 =	simm.s32 $0xFFFFFFFF;
	p2 =	slt.u32 s8, $0xFFFFF086  }
0x1c: {  	p1 =	slt.u32 s9, $0xF7A;
	s5 =	simm.s32 @!p2 $0x0  }
0x1d: {  	s5 =	simm.s32 @p1 $0x1;
	p0 =	seq.s32 s7, s2  }
0x1e: {  	s7 =	smul.u32 @!p0 $0xF7A, s2;
	p2 =	seq.s32 @!p0 s5, $0x0  }
0x1f: {  	s9 =	smul.u32 $0xF7A, s1;
	s8 =	simm.s32 @!p0 $0x1BF5;
	p2 =	por !p2, p0  }
0x20: {  	[sflag:s8] =	ssyncset.s32 @!p0 $0xFFFFF086;
	s6 =	sadd.s32 @!p0 s3, s7;
	s7 =	simm.s32 @!p0 $0x108  }
0x21: {  	s3 =	sadd.s32 s3, s9;
	s6 =	sadd.s32 @!p0 $0x88, s6;
	s7 =	simm.s32 @p2 $0x1082  }
0x22: {  	[simem:s7], [sflag:s8] =	dma.local @!p0 [hbm:s6], $0xF7A  }
0x23: {  	s9 =	sor.u32 $0xD0000000, s2;
	s6 =	simm.s32 $0x108;
	_ =	swait.ge @!p0 [sflag:s8], $0x0  }
0x24: {  	s3 =	sadd.s32 $0x88, s3;
	s6 =	simm.s32 @!p1 $0x1082;
	[sflag:s4] =	ssyncset.s32 $0xFFFFF086  }
0x25: {  	[simem:s6], [sflag:s4] =	dma.local [hbm:s3], $0xF7A  }
0x26: {  	[smem:$0x3F9F] =	sst s1;
	(tag) =	ssettag s2;
	_ =	strace s9  }
0x27: {  	s1 =	sld [smem:$0x3FAF]  }
0x28: {  	s2 =	sld [smem:$0x3FB0]  }
0x29: {  	s4 =	sld [smem:$0x3FB2]  }
0x2a: {  	p0 =	seq.s32 s5, $0x0;
	s5 =	sld [smem:$0x3FB3]  }
0x2b: {  	s6 =	sld [smem:$0x3FB4]  }
0x2c: {  	s7 =	sld [smem:$0x3FB5]  }
0x2d: {  	s3 =	simm.s32 $0x108;
	s8 =	sld [smem:$0x3FB6]  }
0x2e: {  	s3 =	simm.s32 @!p0 $0x1082;
	s9 =	sld [smem:$0x3FB7]  }
0x2f: {  	lr =	sadd.s32 s0, s3;
	s0 =	sld [smem:$0x3FAE]  }
0x30: {  	s3 =	sld [smem:$0x3FB1]  }
0x31: {  	[smem:$0x3FBA] =	sst s10  }
0x32: {  	s10 =	sld [smem:$0x3FB8];
	_ =	sdelay $0x3  }
0x33: {  	p0 =	seq.s32 s10, $0x1;
	s10 =	sld [smem:$0x3FBA];
	_ =	sdelay $0x3  }
0x34: {  	[smem:$0x3FBA] =	sst s10  }
0x35: {  	s10 =	sld [smem:$0x3FB9];
	_ =	sdelay $0x3  }
0x36: {  	p1 =	seq.s32 s10, $0x1;
	s10 =	sld [smem:$0x3FBA];
	_ =	sdelay $0x3  }
0x37: {  	[smem:$0x3FBA] =	sst s10  }
0x38: {  	s10 =	sld [smem:$0x3FBB]  }
0x39: {  	_ = 	snop;
	(pc) =	sbr.ind lr, $3  }
0x3a: {  	_ = 	snop  }
0x3b: {  	_ = 	snop  }
0x3c: {  	p2 =	seq.s32 s10, $0x1;
	s10 =	sld [smem:$0x3FBA]  }
0x3d: {  	_ =	shalt  }
0x3e: {  	_ =	shalt  }
0x3f: {  	_ =	shalt  }
0x40: {  	_ =	shalt  }
0x41: {  	_ =	shalt  }
0x42: {  	_ =	shalt  }
0x43: {  	_ =	shalt  }
0x44: {  	_ =	shalt  }
0x45: {  	_ =	shalt  }
0x46: {  	_ =	shalt  }
0x47: {  	_ =	shalt  }
0x48: {  	_ =	shalt  }
0x49: {  	_ =	shalt  }
0x4a: {  	_ =	shalt  }
0x4b: {  	_ =	shalt  }
0x4c: {  	_ =	shalt  }
0x4d: {  	_ =	shalt  }
0x4e: {  	_ =	shalt  }
0x4f: {  	_ =	shalt  }
0x50: {  	_ =	shalt  }
0x51: {  	_ =	shalt  }
0x52: {  	_ =	shalt  }
0x53: {  	_ =	shalt  }
0x54: {  	_ =	shalt  }
0x55: {  	_ =	shalt  }
0x56: {  	_ =	shalt  }
0x57: {  	_ =	shalt  }
0x58: {  	_ =	shalt  }
0x59: {  	_ =	shalt  }
0x5a: {  	_ =	shalt  }
0x5b: {  	_ =	shalt  }
0x5c: {  	_ =	shalt  }
0x5d: {  	_ =	shalt  }
0x5e: {  	_ =	shalt  }
0x5f: {  	_ =	shalt  }
0x60: {  	_ =	shalt  }
0x61: {  	_ =	shalt  }
0x62: {  	_ =	shalt  }
0x63: {  	_ =	shalt  }
0x64: {  	_ =	shalt  }
0x65: {  	_ =	shalt  }
0x66: {  	_ =	shalt  }
0x67: {  	_ =	shalt  }
0x68: {  	_ =	shalt  }
0x69: {  	_ =	shalt  }
0x6a: {  	_ =	shalt  }
0x6b: {  	_ =	shalt  }
0x6c: {  	_ =	shalt  }
0x6d: {  	_ =	shalt  }
0x6e: {  	_ =	shalt  }
0x6f: {  	_ =	shalt  }
0x70: {  	_ =	shalt  }
0x71: {  	_ =	shalt  }
0x72: {  	_ =	shalt  }
0x73: {  	_ =	shalt  }
0x74: {  	_ =	shalt  }
0x75: {  	_ =	shalt  }
0x76: {  	_ =	shalt  }
0x77: {  	_ =	shalt  }
0x78: {  	_ =	shalt  }
0x79: {  	_ =	shalt  }
0x7a: {  	_ =	shalt  }
0x7b: {  	_ =	shalt  }
0x7c: {  	_ =	shalt  }
0x7d: {  	_ =	shalt  }
0x7e: {  	_ =	shalt  }
0x7f: {  	_ =	shalt  }
0x80: {  	_ =	shalt  }
0x81: {  	_ =	shalt  }
0x82: {  	_ =	shalt  }
0x83: {  	_ =	shalt  }
0x84: {  	_ =	shalt  }
0x85: {  	_ =	shalt  }
0x86: {  	_ =	shalt  }
0x87: {  	_ =	shalt  }
.Lfunc_end0:
.L_simem_size_0:
called_computation.4_lowered:
.L_overlay_start_0:
0x88: {  	s2 =	sld [smem:$0x3FD9]  }
0x89: {  	s3 =	sld [smem:$0x3FFE];
	_ =	sdelay $0x1  }
0x8a: {  	s1 =	srdreg.scid  }
0x8b: {  	s0 =	sand.u32 $0x1, s1  }
0x8c: {  	s14 =	sshll.u32 s0, $0xA;
	s2 =	sadd.s32 s3, s2  }
0x8d: {  	s2 =	sadd.s32 s2, s14  }
0x8e: {  	[smem:$0x3FC6] =	sst s2  }
0x8f: {  	_ = 	snop  }
0x90: {  	s2 =	sld [smem:$0x3FD0];
	_ =	sdelay $0x2  }
0x91: {  	s15 =	simm.s32 $0xA;
	s4 =	simm.s32 $0x10  }
0x92: {  	[smem:s4], [sflag:s15] =	dma.local [hbm:s2], $0x1  }
0x93: {  	_ =	swait.eq [sflag:s15], $0x1  }
0x94: {  	[sflag:s15] =	ssyncset.done $0x0  }
0x95: {  	[sflag:s15] =	ssyncadd.s32 $0xFFFFFFFF  }
0x96: {  	s16 =	sld [smem:$0x10];
	(tm) =	ssettm $0x1  }
0x97: {  	s17 =	sld [smem:$0x3FFB];
	_ =	sdelay $0x3  }
0x98: {  	_ =	strace s17  }
0x99: {  	s3 =	sld [smem:$0x3FFC];
	_ =	sdelay $0x3  }
0x9a: {  	_ =	strace s3  }
0x9b: {  	s3 =	sld [smem:$0x3FFD];
	_ =	sdelay $0x3  }
0x9c: {  	_ =	strace s3  }
0x9d: {  	_ =	strace $0x8FFFFFFF  }
0x9e: {  	s18 =	sld [smem:$0x3FDB];
	_ =	sdelay $0x1  }
0x9f: {  	s19 =	simm.s32 $_scs_section_size  }
0xa0: {  	s5 =	simm.s32 $_size__tile_overlayer_lowered;
	s6 =	simm.s32 $_tile_overlayer_lowered  }
0xa1: {  	s22 =	simm.s32 $0x1BFF;
	s21 =	sshll.u32 s6, $0x1;
	s3 =	sadd.s32 s19, s18  }
0xa2: {  	s7 =	simm.s32 $0x0;
	s20 =	sshll.u32 s5, $0x1;
	s5 =	sadd.s32 s21, s3  }
0xa3: {  	[timem:s7], [sflag:s22] =	dma.local [hbm:s5], s20  }
0xa4: {  	_ =	swait.ge [sflag:s22], s20  }
0xa5: {  	s4 =	ssub.s32 $0x0, s20;
	[sflag:s22] =	ssyncset.done $0x0  }
0xa6: {  	[sflag:s22] =	ssyncadd.s32 s4;
	_ =	sdelay $0x1  }
0xa7: {  	s23 =	simm.s32 $0x1B8B  }
0xa8: {  	_ =	swait.ge [sflag:s23], $0x1  }
0xa9: {  	[sflag:s23] =	ssyncset.done $0x0  }
0xaa: {  	s25 =	simm.s32 $0x1B8E;
	s24 =	sld [smem:$0x3FFE];
	[sflag:s23] =	ssyncadd.s32 $0xFFFFFFFF  }
0xab: {  	s26 =	simm.s32 $execute0_lowered;
	[smem:$0x3FD2] =	sst s25  }
0xac: {  	s5 =	sshll.u32 s26, $0x1;
	_ =	strace $0x80000052;
	[dreg:$0x1] =	wrdreg $0xFFFFFFFF  }
0xad: {  	s28 =	simm.s32 $_size_execute0_lowered;
	s3 =	sadd.s32 s3, s5;
	[dreg:$0x0] =	wrdreg $0x0  }
0xae: {  	s5 =	sshll.u32 s28, $0x1;
	[dreg:$0x2] =	wrdreg s3  }
0xaf: {  	[dreg:$0x3] =	wrdreg s5  }
0xb0: {  	[dreg:$0x4] =	wrdreg $0xC0  }
0xb1: {  	_ =	task [dreg:s7], $0x5FFFF  }
0xb2: {  	[dreg:$0x1] =	wrdreg $0xFFFFFFFF  }
0xb3: {  	[dreg:$0x0] =	wrdreg $0x60  }
0xb4: {  	[dreg:$0x2] =	wrdreg s24  }
0xb5: {  	[dreg:$0x3] =	wrdreg s16  }
0xb6: {  	[dreg:$0x4] =	wrdreg $0x9  }
0xb7: {  	_ =	task.clear_ibuf [dreg:s7], $0x5FFFF;
	_ =	strace $0x90000052  }
0xb8: {  	s29 =	simm.s32 $0x9;
	_ =	strace $0x80000054  }
0xb9: {  	_ =	swait.ge [sflag:s29], $0x1  }
0xba: {  	[sflag:s29] =	ssyncadd.s32 $0xFFFFFFFF  }
0xbb: {  	_ =	strace $0x90000054  }
0xbc: {  	_ =	sfence  }
0xbd: {  	s30 =	sld [smem:$0x0];
	_ =	sdelay $0x2  }
0xbe: {  	s31 =	sshll.u32 s1, $0xD;
	s1 =	sshrl.u32 s1, $0x2  }
0xbf: {  	s3 =	sand.u32 $0x4000, s31;
	s1 =	sadd.s32 s1, s30  }
0xc0: {  	s0 =	sor.u32 s3, s0;
	s1 =	sshll.u32 s1, $0x11  }
0xc1: {  	s0 =	sor.u32 s1, s0  }
0xc2: {  	s0 =	sadd.s32 $0x8F2B, s0  }
0xc3: {  	[sflag:s0] =	ssyncadd.remote.s32 $0x1  }
0xc4: {  	_ =	sfence.sel $0xFFFF  }
0xc5: {  	[dreg:$0x0] =	wrdreg $0xFFFFFFFF;
	(pc) =	sbr.abs _section_cstart, $3  }
0xc6: {  	[dreg:$0x1] =	wrdreg $0xFFFFFFFF  }
0xc7: {  	_ =	task.clear_ibuf [dreg:s7], $0x2FFFF;
	_ =	strace $0x9FFFFFFF  }
0xc8: {  	(tm) =	ssettm $0x7FFFFFFF  }
0xc9: {  	_ =	shalt  }
tec
execute0_lowered:
.L_overlay_start_1:
0x0: {  	(tag) =	ssettag $0x1  }
0x1: {  	s4 =	rddreg [dreg:$0x0]  }
0x2: {  	s5 =	rddreg [dreg:$0x1]  }
0x3: {  	s0 =	rddreg [dreg:$0x2];
	s3 =	srdreg.scid  }
0x4: {  	s2 =	simm.s32 $0x0;
	s1 =	stileid.u32;
	s10 =	simm.s32 $0x1080  }
0x5: {  	s11 =	simm.s32 $0x1880;
	s12 =	simm.s32 $0x2080;
	s13 =	simm.s32 $0x2880  }
0x6: {  	s14 =	simm.s32 $0x3080;
	s15 =	simm.s32 $0x3880;
	s16 =	simm.s32 $0x4080  }
0x7: {  	s17 =	simm.s32 $0x4880;
	s18 =	simm.s32 $0x5080;
	s19 =	simm.s32 $0x5880  }
0x8: {  	s20 =	simm.s32 $0x6080;
	s21 =	simm.s32 $0x6880;
	s22 =	simm.s32 $0x7080  }
0x9: {  	s23 =	simm.s32 $0x7880;
	s24 =	simm.s32 $0x1;
	s3 =	sand.u32 $0x1, s3  }
0xa: {  	[smem:$0x7FF] =	sst s2;
	s6 =	sshll.u32 s1, $0x8;
	s7 =	sshll.u32 s3, $0x7  }
0xb: {  	_ =	strace $0x80000053;
	s31 =	ssub.s32 $0x2, s3;
	s6 =	sor.u32 s7, s6  }
0xc: {  	s3 =	sadd.s32 $0x23A00, s4;
	s9 =	sshrl.u32 s31, $0x1;
	s8 =	sshrl.u32 s6, $0x3  }
0xd: {  	v2 =	vlaneseq.u32;
	s7 =	ssub.s32 s31, s9;
	s6 =	sshll.u32 s6, $0x5;
	s9 =	simm.s32 $0x880  }
0xe: {  	vm0 =	vmmov $0xffff;
	v1 =	vshrl.u32 v2, $0x3;
	s4 =	sadd.s32 s8, s4;
	s5 =	sadd.s32 s5, s6;
	s6 =	smax.u32 s7, $0x1  }
0xf: {  	v0 =	vand.u32 $0x7, v2;
	v2 =	vor.u32 $0x8, v2;
	v1 =	vmul.u32 $0x8, v1;
	s7 =	simm.s32 $0x2;
	s8 =	simm.s32 $0x80;
	s4 =	sadd.s32 $0x5000, s4  }
.LBB2_1:
0x10: {  	[tilespmem:s2], [sflag:$0x2] =	stream.linear.gather [hbm4b:s4+s2], $0x80, $0x38;
	[tilespmem:$0x8080] =	vst v63  }
0x11: {  	_ =	swait.ge [sflag:s7], $0x80  }
0x12: {  	[sflag:s7] =	ssyncset.done $0x0  }
0x13: {  	[sflag:s7] =	ssyncadd.s32 $0xFFFFFF80  }
0x14: {  	v3 =	vld [tilespmem:$0x0];
	_ =	sdelay $0x4  }
0x15: {  	v4 =	vshll.u32 v3, $0x1  }
0x16: {  	v3 =	vand.u32 $0x7, v3;
	v4 =	vand.u32 $0xFFFFFFF0, v4  }
0x17: {  	v3 =	vor.u32 v3, v4  }
0x18: {  	v4 =	vperm.xlane v3, v0;
	_ =	sdelay $0x1  }
0x19: {  	v3 =	vperm.xlane v3, v2;
	v4 =	vadd.s32 v1, v4;
	_ =	sdelay $0x1  }
0x1a: {  	v3 =	vadd.s32 v1, v3;
	_ =	sdelay $0x2  }
0x1b: {  	[tilespmem:s8], [sflag:$0x1] =	stream.indirect_vreg.gather [hbm4b:s3+s2], $0x80, v4, vm0, $0xb8;
	[tilespmem:$0x8080] =	vst v63  }
0x1c: {  	_ = 	snop  }
0x1d: {  	[tilespmem:s9], [sflag:$0x1] =	stream.indirect_vreg.gather [hbm4b:s3+s2], $0x80, v3, vm0, $0xb8;
	[tilespmem:$0x8080] =	vst v63  }
0x1e: {  	v3 =	vld [tilespmem:$0x10];
	_ =	sdelay $0x4  }
0x1f: {  	v57 =	vshll.u32 v3, $0x1  }
0x20: {  	v3 =	vand.u32 $0x7, v3;
	v4 =	vand.u32 $0xFFFFFFF0, v57  }
0x21: {  	v3 =	vor.u32 v3, v4  }
0x22: {  	v4 =	vperm.xlane v3, v0;
	_ =	sdelay $0x1  }
0x23: {  	v3 =	vperm.xlane v3, v2;
	v4 =	vadd.s32 v1, v4;
	_ =	sdelay $0x1  }
0x24: {  	v3 =	vadd.s32 v1, v3;
	_ =	sdelay $0x2  }
0x25: {  	[tilespmem:s10], [sflag:$0x1] =	stream.indirect_vreg.gather [hbm4b:s3+s2], $0x80, v4, vm0, $0xb8;
	[tilespmem:$0x8080] =	vst v63  }
0x26: {  	_ = 	snop  }
0x27: {  	[tilespmem:s11], [sflag:$0x1] =	stream.indirect_vreg.gather [hbm4b:s3+s2], $0x80, v3, vm0, $0xb8;
	[tilespmem:$0x8080] =	vst v63  }
0x28: {  	v3 =	vld [tilespmem:$0x20];
	_ =	sdelay $0x4  }
0x29: {  	v58 =	vshll.u32 v3, $0x1  }
0x2a: {  	v3 =	vand.u32 $0x7, v3;
	v4 =	vand.u32 $0xFFFFFFF0, v58  }
0x2b: {  	v3 =	vor.u32 v3, v4  }
0x2c: {  	v4 =	vperm.xlane v3, v0;
	_ =	sdelay $0x1  }
0x2d: {  	v3 =	vperm.xlane v3, v2;
	v4 =	vadd.s32 v1, v4;
	_ =	sdelay $0x1  }
0x2e: {  	v3 =	vadd.s32 v1, v3;
	_ =	sdelay $0x2  }
0x2f: {  	[tilespmem:s12], [sflag:$0x1] =	stream.indirect_vreg.gather [hbm4b:s3+s2], $0x80, v4, vm0, $0xb8;
	[tilespmem:$0x8080] =	vst v63  }
0x30: {  	_ = 	snop  }
0x31: {  	[tilespmem:s13], [sflag:$0x1] =	stream.indirect_vreg.gather [hbm4b:s3+s2], $0x80, v3, vm0, $0xb8;
	[tilespmem:$0x8080] =	vst v63  }
0x32: {  	v3 =	vld [tilespmem:$0x30];
	_ =	sdelay $0x4  }
0x33: {  	v59 =	vshll.u32 v3, $0x1  }
0x34: {  	v3 =	vand.u32 $0x7, v3;
	v4 =	vand.u32 $0xFFFFFFF0, v59  }
0x35: {  	v3 =	vor.u32 v3, v4  }
0x36: {  	v4 =	vperm.xlane v3, v0;
	_ =	sdelay $0x1  }
0x37: {  	v3 =	vperm.xlane v3, v2;
	v4 =	vadd.s32 v1, v4;
	_ =	sdelay $0x1  }
0x38: {  	v3 =	vadd.s32 v1, v3;
	_ =	sdelay $0x2  }
0x39: {  	[tilespmem:s14], [sflag:$0x1] =	stream.indirect_vreg.gather [hbm4b:s3+s2], $0x80, v4, vm0, $0xb8;
	[tilespmem:$0x8080] =	vst v63  }
0x3a: {  	_ = 	snop  }
0x3b: {  	[tilespmem:s15], [sflag:$0x1] =	stream.indirect_vreg.gather [hbm4b:s3+s2], $0x80, v3, vm0, $0xb8;
	[tilespmem:$0x8080] =	vst v63  }
0x3c: {  	v3 =	vld [tilespmem:$0x40];
	_ =	sdelay $0x4  }
0x3d: {  	v60 =	vshll.u32 v3, $0x1  }
0x3e: {  	v3 =	vand.u32 $0x7, v3;
	v4 =	vand.u32 $0xFFFFFFF0, v60  }
0x3f: {  	v3 =	vor.u32 v3, v4  }
0x40: {  	v4 =	vperm.xlane v3, v0;
	_ =	sdelay $0x1  }
0x41: {  	v3 =	vperm.xlane v3, v2;
	v4 =	vadd.s32 v1, v4;
	_ =	sdelay $0x1  }
0x42: {  	v3 =	vadd.s32 v1, v3;
	_ =	sdelay $0x2  }
0x43: {  	[tilespmem:s16], [sflag:$0x1] =	stream.indirect_vreg.gather [hbm4b:s3+s2], $0x80, v4, vm0, $0xb8;
	[tilespmem:$0x8080] =	vst v63  }
0x44: {  	_ = 	snop  }
0x45: {  	[tilespmem:s17], [sflag:$0x1] =	stream.indirect_vreg.gather [hbm4b:s3+s2], $0x80, v3, vm0, $0xb8;
	[tilespmem:$0x8080] =	vst v63  }
0x46: {  	v3 =	vld [tilespmem:$0x50];
	_ =	sdelay $0x4  }
0x47: {  	v61 =	vshll.u32 v3, $0x1  }
0x48: {  	v3 =	vand.u32 $0x7, v3;
	v4 =	vand.u32 $0xFFFFFFF0, v61  }
0x49: {  	v3 =	vor.u32 v3, v4  }
0x4a: {  	v4 =	vperm.xlane v3, v0;
	_ =	sdelay $0x1  }
0x4b: {  	v3 =	vperm.xlane v3, v2;
	v4 =	vadd.s32 v1, v4;
	_ =	sdelay $0x1  }
0x4c: {  	v3 =	vadd.s32 v1, v3;
	_ =	sdelay $0x2  }
0x4d: {  	[tilespmem:s18], [sflag:$0x1] =	stream.indirect_vreg.gather [hbm4b:s3+s2], $0x80, v4, vm0, $0xb8;
	[tilespmem:$0x8080] =	vst v63  }
0x4e: {  	_ = 	snop  }
0x4f: {  	[tilespmem:s19], [sflag:$0x1] =	stream.indirect_vreg.gather [hbm4b:s3+s2], $0x80, v3, vm0, $0xb8;
	[tilespmem:$0x8080] =	vst v63  }
0x50: {  	v3 =	vld [tilespmem:$0x60];
	_ =	sdelay $0x4  }
0x51: {  	v62 =	vshll.u32 v3, $0x1  }
0x52: {  	v3 =	vand.u32 $0x7, v3;
	v4 =	vand.u32 $0xFFFFFFF0, v62  }
0x53: {  	v3 =	vor.u32 v3, v4  }
0x54: {  	v4 =	vperm.xlane v3, v0;
	_ =	sdelay $0x1  }
0x55: {  	v3 =	vperm.xlane v3, v2;
	v4 =	vadd.s32 v1, v4;
	_ =	sdelay $0x1  }
0x56: {  	v3 =	vadd.s32 v1, v3;
	_ =	sdelay $0x2  }
0x57: {  	[tilespmem:s20], [sflag:$0x1] =	stream.indirect_vreg.gather [hbm4b:s3+s2], $0x80, v4, vm0, $0xb8;
	[tilespmem:$0x8080] =	vst v63  }
0x58: {  	_ = 	snop  }
0x59: {  	[tilespmem:s21], [sflag:$0x1] =	stream.indirect_vreg.gather [hbm4b:s3+s2], $0x80, v3, vm0, $0xb8;
	[tilespmem:$0x8080] =	vst v63  }
0x5a: {  	v3 =	vld [tilespmem:$0x70];
	_ =	sdelay $0x4  }
0x5b: {  	v63 =	vshll.u32 v3, $0x1  }
0x5c: {  	v3 =	vand.u32 $0x7, v3;
	v4 =	vand.u32 $0xFFFFFFF0, v63  }
0x5d: {  	v3 =	vor.u32 v3, v4  }
0x5e: {  	v4 =	vperm.xlane v3, v0;
	_ =	sdelay $0x1  }
0x5f: {  	v3 =	vperm.xlane v3, v2;
	v4 =	vadd.s32 v1, v4;
	_ =	sdelay $0x1  }
0x60: {  	v3 =	vadd.s32 v1, v3;
	_ =	sdelay $0x2  }
0x61: {  	[tilespmem:s22], [sflag:$0x1] =	stream.indirect_vreg.gather [hbm4b:s3+s2], $0x80, v4, vm0, $0xb8;
	[tilespmem:$0x8080] =	vst v63  }
0x62: {  	_ = 	snop  }
0x63: {  	[tilespmem:s23], [sflag:$0x1] =	stream.indirect_vreg.gather [hbm4b:s3+s2], $0x80, v3, vm0, $0xb8;
	[tilespmem:$0x8080] =	vst v63  }
0x64: {  	_ =	swait.ge [sflag:s24], $0x8000  }
0x65: {  	p0 =	sne.s32 s6, $0x1;
	[sflag:s24] =	ssyncset.done $0x0  }
.Ltmp0:
0x66: {  	[sflag:s24] =	ssyncadd.s32 $0xFFFF8000;
	(pc) =	sbr.rel @p0 .LBB2_1-.Ltmp0, $4  }
0x67: {  	[hbm4b:s5+s2] =	stream.linear.scatter [tilespmem:s8], [sflag:$0x2], $0x8000, $0x38;
	[tilespmem:$0x8080] =	vst v63  }
0x68: {  	_ =	swait.ge [sflag:s7], $0x8000  }
0x69: {  	[sflag:s7] =	ssyncset.done $0x0  }
0x6a: {  	s6 =	sadd.s32 $0xFFFFFFFF, s6;
	[sflag:s7] =	ssyncadd.s32 $0xFFFF8000  }
0x6b: {  	_ =	sfence.sel $0x180000  }
0x6c: {  	[bflag:$0x0] =	sbarrier.arrive $0xFFFF  }
0x6d: {  	p0 =	sne.s32 s1, $0x0;
	_ =	strace $0x90000053  }
0x6e: {  	s0 =	sadd.s32 @!p0 $0x100000, s0;
	[bflag:$0x2] =	sbarrier.arrive $0xFFFF  }
0x6f: {  	[sflag:s0] =	ssyncadd.tile.s32 @!p0 $0x1;
	_ =	shalt  }
.Lfunc_end2:
_tile_overlayer_lowered:
.L_overlay_start_2:
0x70: {  	(tag) =	ssettag $0x2  }
0x71: {  	s0 =	rddreg [dreg:$0x0];
	s2 =	stileid.u32  }
0x72: {  	s1 =	rddreg [dreg:$0x1];
	p0 =	sne.s32 s2, $0x0  }
0x73: {  	s3 =	rddreg [dreg:$0x2];
	[bflag:$0x3] =	sbarrier.arrive $0xFFFF;
	s2 =	simm.s32 @!p0 $0x1C02  }
0x74: {  	[timem:s3], [sflag:s2] =	dma.local @!p0 [hbm:s0], s1  }
0x75: {  	s0 =	simm.s32 @!p0 $0x2  }
0x76: {  	_ =	swait.ge @!p0 [sflag:s0], s1  }
0x77: {  	s1 =	ssub.s32 @!p0 $0x0, s1;
	[sflag:s0] =	ssyncset.done @!p0 $0x0  }
0x78: {  	[sflag:s0] =	ssyncadd.s32 @!p0 s1  }
0x79: {  	[bflag:$0x3] =	sbarrier.arrive $0xFFFF  }
0x7a: {  	_ =	shalt  }

// kernel: kernel.29.cloned.1.call-start
scs
__scs_entry_jumppad:
0x0: {  	(pc) =	sbr.rel $0x88, $3  }
0x1: {  	(tag) =	ssettag $0x0;
	lr =	simm.s32 $0x1  }
0x2: {  	[smem:$0x3F9F] =	sst lr;
	_ =	strace $0xD0000000  }
0x3: {  	_ = 	snop  }
0x4: {  	_ = 	snop  }
0x5: {  	_ = 	snop  }
0x6: {  	_ = 	snop  }
0x7: {  	_ = 	snop  }
__scs_overlays_trampoline_lowered:
0x8: {  	[smem:$0x3FAE] =	sst s0  }
0x9: {  	[smem:$0x3FAF] =	sst s1  }
0xa: {  	[smem:$0x3FB0] =	sst s2  }
0xb: {  	[smem:$0x3FB1] =	sst s3  }
0xc: {  	[smem:$0x3FB2] =	sst s4  }
0xd: {  	[smem:$0x3FB3] =	sst s5  }
0xe: {  	[smem:$0x3FB4] =	sst s6  }
0xf: {  	[smem:$0x3FB5] =	sst s7  }
0x10: {  	[smem:$0x3FB6] =	sst s8  }
0x11: {  	[smem:$0x3FB7] =	sst s9;
	s0 =	simm.s32 @!p0 $0x0  }
0x12: {  	s1 =	sld [smem:$0x3F9D];
	s0 =	simm.s32 @p0 $0x1  }
0x13: {  	[smem:$0x3FB8] =	sst s0;
	s0 =	simm.s32 @!p1 $0x0  }
0x14: {  	s2 =	sld [smem:$0x3F9C];
	s0 =	simm.s32 @p1 $0x1  }
0x15: {  	[smem:$0x3FB9] =	sst s0;
	s0 =	simm.s32 @!p2 $0x0  }
0x16: {  	s3 =	sld [smem:$0x3FDB];
	s0 =	simm.s32 @p2 $0x1  }
0x17: {  	s4 =	simm.s32 $0x1BF5;
	[smem:$0x3FBB] =	sst s0  }
0x18: {  	s0 =	sld [smem:$0x3F9E];
	_ =	swait.ge [sflag:s4], $0x0  }
0x19: {  	s7 =	sld [smem:$0x3F9F]  }
0x1a: {  	s8 =	sadd.s32 $0xFFFFE003, lr  }
0x1b: {  	s9 =	sadd.s32 $0xFFFFFEF7, lr;
	s5 =	simm.s32 $0xFFFFFFFF;
	p2 =	slt.u32 s8, $0xFFFFF086  }
0x1c: {  	p1 =	slt.u32 s9, $0xF7A;
	s5 =	simm.s32 @!p2 $0x0  }
0x1d: {  	s5 =	simm.s32 @p1 $0x1;
	p0 =	seq.s32 s7, s2  }
0x1e: {  	s7 =	smul.u32 @!p0 $0xF7A, s2;
	p2 =	seq.s32 @!p0 s5, $0x0  }
0x1f: {  	s9 =	smul.u32 $0xF7A, s1;
	s8 =	simm.s32 @!p0 $0x1BF5;
	p2 =	por !p2, p0  }
0x20: {  	[sflag:s8] =	ssyncset.s32 @!p0 $0xFFFFF086;
	s6 =	sadd.s32 @!p0 s3, s7;
	s7 =	simm.s32 @!p0 $0x108  }
0x21: {  	s3 =	sadd.s32 s3, s9;
	s6 =	sadd.s32 @!p0 $0x88, s6;
	s7 =	simm.s32 @p2 $0x1082  }
0x22: {  	[simem:s7], [sflag:s8] =	dma.local @!p0 [hbm:s6], $0xF7A  }
0x23: {  	s9 =	sor.u32 $0xD0000000, s2;
	s6 =	simm.s32 $0x108;
	_ =	swait.ge @!p0 [sflag:s8], $0x0  }
0x24: {  	s3 =	sadd.s32 $0x88, s3;
	s6 =	simm.s32 @!p1 $0x1082;
	[sflag:s4] =	ssyncset.s32 $0xFFFFF086  }
0x25: {  	[simem:s6], [sflag:s4] =	dma.local [hbm:s3], $0xF7A  }
0x26: {  	[smem:$0x3F9F] =	sst s1;
	(tag) =	ssettag s2;
	_ =	strace s9  }
0x27: {  	s1 =	sld [smem:$0x3FAF]  }
0x28: {  	s2 =	sld [smem:$0x3FB0]  }
0x29: {  	s4 =	sld [smem:$0x3FB2]  }
0x2a: {  	p0 =	seq.s32 s5, $0x0;
	s5 =	sld [smem:$0x3FB3]  }
0x2b: {  	s6 =	sld [smem:$0x3FB4]  }
0x2c: {  	s7 =	sld [smem:$0x3FB5]  }
0x2d: {  	s3 =	simm.s32 $0x108;
	s8 =	sld [smem:$0x3FB6]  }
0x2e: {  	s3 =	simm.s32 @!p0 $0x1082;
	s9 =	sld [smem:$0x3FB7]  }
0x2f: {  	lr =	sadd.s32 s0, s3;
	s0 =	sld [smem:$0x3FAE]  }
0x30: {  	s3 =	sld [smem:$0x3FB1]  }
0x31: {  	[smem:$0x3FBA] =	sst s10  }
0x32: {  	s10 =	sld [smem:$0x3FB8];
	_ =	sdelay $0x3  }
0x33: {  	p0 =	seq.s32 s10, $0x1;
	s10 =	sld [smem:$0x3FBA];
	_ =	sdelay $0x3  }
0x34: {  	[smem:$0x3FBA] =	sst s10  }
0x35: {  	s10 =	sld [smem:$0x3FB9];
	_ =	sdelay $0x3  }
0x36: {  	p1 =	seq.s32 s10, $0x1;
	s10 =	sld [smem:$0x3FBA];
	_ =	sdelay $0x3  }
0x37: {  	[smem:$0x3FBA] =	sst s10  }
0x38: {  	s10 =	sld [smem:$0x3FBB]  }
0x39: {  	_ = 	snop;
	(pc) =	sbr.ind lr, $3  }
0x3a: {  	_ = 	snop  }
0x3b: {  	_ = 	snop  }
0x3c: {  	p2 =	seq.s32 s10, $0x1;
	s10 =	sld [smem:$0x3FBA]  }
0x3d: {  	_ =	shalt  }
0x3e: {  	_ =	shalt  }
0x3f: {  	_ =	shalt  }
0x40: {  	_ =	shalt  }
0x41: {  	_ =	shalt  }
0x42: {  	_ =	shalt  }
0x43: {  	_ =	shalt  }
0x44: {  	_ =	shalt  }
0x45: {  	_ =	shalt  }
0x46: {  	_ =	shalt  }
0x47: {  	_ =	shalt  }
0x48: {  	_ =	shalt  }
0x49: {  	_ =	shalt  }
0x4a: {  	_ =	shalt  }
0x4b: {  	_ =	shalt  }
0x4c: {  	_ =	shalt  }
0x4d: {  	_ =	shalt  }
0x4e: {  	_ =	shalt  }
0x4f: {  	_ =	shalt  }
0x50: {  	_ =	shalt  }
0x51: {  	_ =	shalt  }
0x52: {  	_ =	shalt  }
0x53: {  	_ =	shalt  }
0x54: {  	_ =	shalt  }
0x55: {  	_ =	shalt  }
0x56: {  	_ =	shalt  }
0x57: {  	_ =	shalt  }
0x58: {  	_ =	shalt  }
0x59: {  	_ =	shalt  }
0x5a: {  	_ =	shalt  }
0x5b: {  	_ =	shalt  }
0x5c: {  	_ =	shalt  }
0x5d: {  	_ =	shalt  }
0x5e: {  	_ =	shalt  }
0x5f: {  	_ =	shalt  }
0x60: {  	_ =	shalt  }
0x61: {  	_ =	shalt  }
0x62: {  	_ =	shalt  }
0x63: {  	_ =	shalt  }
0x64: {  	_ =	shalt  }
0x65: {  	_ =	shalt  }
0x66: {  	_ =	shalt  }
0x67: {  	_ =	shalt  }
0x68: {  	_ =	shalt  }
0x69: {  	_ =	shalt  }
0x6a: {  	_ =	shalt  }
0x6b: {  	_ =	shalt  }
0x6c: {  	_ =	shalt  }
0x6d: {  	_ =	shalt  }
0x6e: {  	_ =	shalt  }
0x6f: {  	_ =	shalt  }
0x70: {  	_ =	shalt  }
0x71: {  	_ =	shalt  }
0x72: {  	_ =	shalt  }
0x73: {  	_ =	shalt  }
0x74: {  	_ =	shalt  }
0x75: {  	_ =	shalt  }
0x76: {  	_ =	shalt  }
0x77: {  	_ =	shalt  }
0x78: {  	_ =	shalt  }
0x79: {  	_ =	shalt  }
0x7a: {  	_ =	shalt  }
0x7b: {  	_ =	shalt  }
0x7c: {  	_ =	shalt  }
0x7d: {  	_ =	shalt  }
0x7e: {  	_ =	shalt  }
0x7f: {  	_ =	shalt  }
0x80: {  	_ =	shalt  }
0x81: {  	_ =	shalt  }
0x82: {  	_ =	shalt  }
0x83: {  	_ =	shalt  }
0x84: {  	_ =	shalt  }
0x85: {  	_ =	shalt  }
0x86: {  	_ =	shalt  }
0x87: {  	_ =	shalt  }
.Lfunc_end0:
.L_simem_size_0:
called_computation.5_lowered:
.L_overlay_start_0:
0x88: {  	s2 =	sld [smem:$0x3FD9]  }
0x89: {  	s3 =	sld [smem:$0x3FFE];
	_ =	sdelay $0x1  }
0x8a: {  	s1 =	srdreg.scid  }
0x8b: {  	s0 =	sand.u32 $0x1, s1  }
0x8c: {  	s14 =	sshll.u32 s0, $0xA;
	s2 =	sadd.s32 s3, s2  }
0x8d: {  	s2 =	sadd.s32 s2, s14  }
0x8e: {  	[smem:$0x3FC6] =	sst s2  }
0x8f: {  	_ = 	snop  }
0x90: {  	s2 =	sld [smem:$0x3FD0];
	_ =	sdelay $0x2  }
0x91: {  	s15 =	simm.s32 $0xA;
	s4 =	simm.s32 $0x10  }
0x92: {  	[smem:s4], [sflag:s15] =	dma.local [hbm:s2], $0x1  }
0x93: {  	_ =	swait.eq [sflag:s15], $0x1  }
0x94: {  	[sflag:s15] =	ssyncset.done $0x0  }
0x95: {  	[sflag:s15] =	ssyncadd.s32 $0xFFFFFFFF  }
0x96: {  	s16 =	sld [smem:$0x10];
	(tm) =	ssettm $0x1  }
0x97: {  	s17 =	sld [smem:$0x3FFB];
	_ =	sdelay $0x3  }
0x98: {  	_ =	strace s17  }
0x99: {  	s3 =	sld [smem:$0x3FFC];
	_ =	sdelay $0x3  }
0x9a: {  	_ =	strace s3  }
0x9b: {  	s3 =	sld [smem:$0x3FFD];
	_ =	sdelay $0x3  }
0x9c: {  	_ =	strace s3  }
0x9d: {  	_ =	strace $0x8FFFFFFF  }
0x9e: {  	s18 =	sld [smem:$0x3FDB];
	_ =	sdelay $0x1  }
0x9f: {  	s19 =	simm.s32 $_scs_section_size  }
0xa0: {  	s5 =	simm.s32 $_size__tile_overlayer_lowered;
	s6 =	simm.s32 $_tile_overlayer_lowered  }
0xa1: {  	s22 =	simm.s32 $0x1BFF;
	s21 =	sshll.u32 s6, $0x1;
	s3 =	sadd.s32 s19, s18  }
0xa2: {  	s7 =	simm.s32 $0x0;
	s20 =	sshll.u32 s5, $0x1;
	s5 =	sadd.s32 s21, s3  }
0xa3: {  	[timem:s7], [sflag:s22] =	dma.local [hbm:s5], s20  }
0xa4: {  	_ =	swait.ge [sflag:s22], s20  }
0xa5: {  	s4 =	ssub.s32 $0x0, s20;
	[sflag:s22] =	ssyncset.done $0x0  }
0xa6: {  	[sflag:s22] =	ssyncadd.s32 s4;
	_ =	sdelay $0x1  }
0xa7: {  	s23 =	simm.s32 $0x1B8B  }
0xa8: {  	_ =	swait.ge [sflag:s23], $0x1  }
0xa9: {  	[sflag:s23] =	ssyncset.done $0x0  }
0xaa: {  	s25 =	simm.s32 $0x1B8E;
	s24 =	sld [smem:$0x3FFE];
	[sflag:s23] =	ssyncadd.s32 $0xFFFFFFFF  }
0xab: {  	s26 =	simm.s32 $execute0_lowered;
	[smem:$0x3FD2] =	sst s25  }
0xac: {  	s5 =	sshll.u32 s26, $0x1;
	_ =	strace $0x80000055;
	[dreg:$0x1] =	wrdreg $0xFFFFFFFF  }
0xad: {  	s28 =	simm.s32 $_size_execute0_lowered;
	s3 =	sadd.s32 s3, s5;
	[dreg:$0x0] =	wrdreg $0x0  }
0xae: {  	s5 =	sshll.u32 s28, $0x1;
	[dreg:$0x2] =	wrdreg s3  }
0xaf: {  	[dreg:$0x3] =	wrdreg s5  }
0xb0: {  	[dreg:$0x4] =	wrdreg $0xC0  }
0xb1: {  	_ =	task [dreg:s7], $0x5FFFF  }
0xb2: {  	[dreg:$0x1] =	wrdreg $0xFFFFFFFF  }
0xb3: {  	[dreg:$0x0] =	wrdreg $0x60  }
0xb4: {  	[dreg:$0x2] =	wrdreg s24  }
0xb5: {  	[dreg:$0x3] =	wrdreg s16  }
0xb6: {  	[dreg:$0x4] =	wrdreg $0x9  }
0xb7: {  	_ =	task.clear_ibuf [dreg:s7], $0x5FFFF;
	_ =	strace $0x90000055  }
0xb8: {  	s29 =	simm.s32 $0x9;
	_ =	strace $0x80000057  }
0xb9: {  	_ =	swait.ge [sflag:s29], $0x1  }
0xba: {  	[sflag:s29] =	ssyncadd.s32 $0xFFFFFFFF  }
0xbb: {  	_ =	strace $0x90000057  }
0xbc: {  	_ =	sfence  }
0xbd: {  	s30 =	sld [smem:$0x0];
	_ =	sdelay $0x2  }
0xbe: {  	s31 =	sshll.u32 s1, $0xD;
	s1 =	sshrl.u32 s1, $0x2  }
0xbf: {  	s3 =	sand.u32 $0x4000, s31;
	s1 =	sadd.s32 s1, s30  }
0xc0: {  	s0 =	sor.u32 s3, s0;
	s1 =	sshll.u32 s1, $0x11  }
0xc1: {  	s0 =	sor.u32 s1, s0  }
0xc2: {  	s0 =	sadd.s32 $0x8F2B, s0  }
0xc3: {  	[sflag:s0] =	ssyncadd.remote.s32 $0x1  }
0xc4: {  	_ =	sfence.sel $0xFFFF  }
0xc5: {  	[dreg:$0x0] =	wrdreg $0xFFFFFFFF;
	(pc) =	sbr.abs _section_cstart, $3  }
0xc6: {  	[dreg:$0x1] =	wrdreg $0xFFFFFFFF  }
0xc7: {  	_ =	task.clear_ibuf [dreg:s7], $0x2FFFF;
	_ =	strace $0x9FFFFFFF  }
0xc8: {  	(tm) =	ssettm $0x7FFFFFFF  }
0xc9: {  	_ =	shalt  }
tec
execute0_lowered:
.L_overlay_start_1:
0x0: {  	(tag) =	ssettag $0x1  }
0x1: {  	s4 =	rddreg [dreg:$0x0]  }
0x2: {  	s5 =	rddreg [dreg:$0x1]  }
0x3: {  	s0 =	rddreg [dreg:$0x2];
	s3 =	srdreg.scid  }
0x4: {  	s2 =	simm.s32 $0x0;
	s1 =	stileid.u32;
	s10 =	simm.s32 $0x1080  }
0x5: {  	s11 =	simm.s32 $0x1880;
	s12 =	simm.s32 $0x2080;
	s13 =	simm.s32 $0x2880  }
0x6: {  	s14 =	simm.s32 $0x3080;
	s15 =	simm.s32 $0x3880;
	s16 =	simm.s32 $0x4080  }
0x7: {  	s17 =	simm.s32 $0x4880;
	s18 =	simm.s32 $0x5080;
	s19 =	simm.s32 $0x5880  }
0x8: {  	s20 =	simm.s32 $0x6080;
	s21 =	simm.s32 $0x6880;
	s22 =	simm.s32 $0x7080  }
0x9: {  	s23 =	simm.s32 $0x7880;
	s24 =	simm.s32 $0x1;
	s3 =	sand.u32 $0x1, s3  }
0xa: {  	[smem:$0x7FF] =	sst s2;
	s6 =	sshll.u32 s1, $0x8;
	s7 =	sshll.u32 s3, $0x7  }
0xb: {  	_ =	strace $0x80000056;
	s31 =	ssub.s32 $0x2, s3;
	s6 =	sor.u32 s7, s6  }
0xc: {  	s3 =	sadd.s32 $0x2BA00, s4;
	s9 =	sshrl.u32 s31, $0x1;
	s8 =	sshrl.u32 s6, $0x3  }
0xd: {  	v2 =	vlaneseq.u32;
	s7 =	ssub.s32 s31, s9;
	s6 =	sshll.u32 s6, $0x5;
	s9 =	simm.s32 $0x880  }
0xe: {  	vm0 =	vmmov $0xffff;
	v1 =	vshrl.u32 v2, $0x3;
	s4 =	sadd.s32 s8, s4;
	s5 =	sadd.s32 s5, s6;
	s6 =	smax.u32 s7, $0x1  }
0xf: {  	v0 =	vand.u32 $0x7, v2;
	v2 =	vor.u32 $0x8, v2;
	v1 =	vmul.u32 $0x8, v1;
	s7 =	simm.s32 $0x2;
	s8 =	simm.s32 $0x80;
	s4 =	sadd.s32 $0x5600, s4  }
.LBB2_1:
0x10: {  	[tilespmem:s2], [sflag:$0x2] =	stream.linear.gather [hbm4b:s4+s2], $0x80, $0x38;
	[tilespmem:$0x8080] =	vst v63  }
0x11: {  	_ =	swait.ge [sflag:s7], $0x80  }
0x12: {  	[sflag:s7] =	ssyncset.done $0x0  }
0x13: {  	[sflag:s7] =	ssyncadd.s32 $0xFFFFFF80  }
0x14: {  	v3 =	vld [tilespmem:$0x0];
	_ =	sdelay $0x4  }
0x15: {  	v4 =	vshll.u32 v3, $0x1  }
0x16: {  	v3 =	vand.u32 $0x7, v3;
	v4 =	vand.u32 $0xFFFFFFF0, v4  }
0x17: {  	v3 =	vor.u32 v3, v4  }
0x18: {  	v4 =	vperm.xlane v3, v0;
	_ =	sdelay $0x1  }
0x19: {  	v3 =	vperm.xlane v3, v2;
	v4 =	vadd.s32 v1, v4;
	_ =	sdelay $0x1  }
0x1a: {  	v3 =	vadd.s32 v1, v3;
	_ =	sdelay $0x2  }
0x1b: {  	[tilespmem:s8], [sflag:$0x1] =	stream.indirect_vreg.gather [hbm4b:s3+s2], $0x80, v4, vm0, $0xb8;
	[tilespmem:$0x8080] =	vst v63  }
0x1c: {  	_ = 	snop  }
0x1d: {  	[tilespmem:s9], [sflag:$0x1] =	stream.indirect_vreg.gather [hbm4b:s3+s2], $0x80, v3, vm0, $0xb8;
	[tilespmem:$0x8080] =	vst v63  }
0x1e: {  	v3 =	vld [tilespmem:$0x10];
	_ =	sdelay $0x4  }
0x1f: {  	v57 =	vshll.u32 v3, $0x1  }
0x20: {  	v3 =	vand.u32 $0x7, v3;
	v4 =	vand.u32 $0xFFFFFFF0, v57  }
0x21: {  	v3 =	vor.u32 v3, v4  }
0x22: {  	v4 =	vperm.xlane v3, v0;
	_ =	sdelay $0x1  }
0x23: {  	v3 =	vperm.xlane v3, v2;
	v4 =	vadd.s32 v1, v4;
	_ =	sdelay $0x1  }
0x24: {  	v3 =	vadd.s32 v1, v3;
	_ =	sdelay $0x2  }
0x25: {  	[tilespmem:s10], [sflag:$0x1] =	stream.indirect_vreg.gather [hbm4b:s3+s2], $0x80, v4, vm0, $0xb8;
	[tilespmem:$0x8080] =	vst v63  }
0x26: {  	_ = 	snop  }
0x27: {  	[tilespmem:s11], [sflag:$0x1] =	stream.indirect_vreg.gather [hbm4b:s3+s2], $0x80, v3, vm0, $0xb8;
	[tilespmem:$0x8080] =	vst v63  }
0x28: {  	v3 =	vld [tilespmem:$0x20];
	_ =	sdelay $0x4  }
0x29: {  	v58 =	vshll.u32 v3, $0x1  }
0x2a: {  	v3 =	vand.u32 $0x7, v3;
	v4 =	vand.u32 $0xFFFFFFF0, v58  }
0x2b: {  	v3 =	vor.u32 v3, v4  }
0x2c: {  	v4 =	vperm.xlane v3, v0;
	_ =	sdelay $0x1  }
0x2d: {  	v3 =	vperm.xlane v3, v2;
	v4 =	vadd.s32 v1, v4;
	_ =	sdelay $0x1  }
0x2e: {  	v3 =	vadd.s32 v1, v3;
	_ =	sdelay $0x2  }
0x2f: {  	[tilespmem:s12], [sflag:$0x1] =	stream.indirect_vreg.gather [hbm4b:s3+s2], $0x80, v4, vm0, $0xb8;
	[tilespmem:$0x8080] =	vst v63  }
0x30: {  	_ = 	snop  }
0x31: {  	[tilespmem:s13], [sflag:$0x1] =	stream.indirect_vreg.gather [hbm4b:s3+s2], $0x80, v3, vm0, $0xb8;
	[tilespmem:$0x8080] =	vst v63  }
0x32: {  	v3 =	vld [tilespmem:$0x30];
	_ =	sdelay $0x4  }
0x33: {  	v59 =	vshll.u32 v3, $0x1  }
0x34: {  	v3 =	vand.u32 $0x7, v3;
	v4 =	vand.u32 $0xFFFFFFF0, v59  }
0x35: {  	v3 =	vor.u32 v3, v4  }
0x36: {  	v4 =	vperm.xlane v3, v0;
	_ =	sdelay $0x1  }
0x37: {  	v3 =	vperm.xlane v3, v2;
	v4 =	vadd.s32 v1, v4;
	_ =	sdelay $0x1  }
0x38: {  	v3 =	vadd.s32 v1, v3;
	_ =	sdelay $0x2  }
0x39: {  	[tilespmem:s14], [sflag:$0x1] =	stream.indirect_vreg.gather [hbm4b:s3+s2], $0x80, v4, vm0, $0xb8;
	[tilespmem:$0x8080] =	vst v63  }
0x3a: {  	_ = 	snop  }
0x3b: {  	[tilespmem:s15], [sflag:$0x1] =	stream.indirect_vreg.gather [hbm4b:s3+s2], $0x80, v3, vm0, $0xb8;
	[tilespmem:$0x8080] =	vst v63  }
0x3c: {  	v3 =	vld [tilespmem:$0x40];
	_ =	sdelay $0x4  }
0x3d: {  	v60 =	vshll.u32 v3, $0x1  }
0x3e: {  	v3 =	vand.u32 $0x7, v3;
	v4 =	vand.u32 $0xFFFFFFF0, v60  }
0x3f: {  	v3 =	vor.u32 v3, v4  }
0x40: {  	v4 =	vperm.xlane v3, v0;
	_ =	sdelay $0x1  }
0x41: {  	v3 =	vperm.xlane v3, v2;
	v4 =	vadd.s32 v1, v4;
	_ =	sdelay $0x1  }
0x42: {  	v3 =	vadd.s32 v1, v3;
	_ =	sdelay $0x2  }
0x43: {  	[tilespmem:s16], [sflag:$0x1] =	stream.indirect_vreg.gather [hbm4b:s3+s2], $0x80, v4, vm0, $0xb8;
	[tilespmem:$0x8080] =	vst v63  }
0x44: {  	_ = 	snop  }
0x45: {  	[tilespmem:s17], [sflag:$0x1] =	stream.indirect_vreg.gather [hbm4b:s3+s2], $0x80, v3, vm0, $0xb8;
	[tilespmem:$0x8080] =	vst v63  }
0x46: {  	v3 =	vld [tilespmem:$0x50];
	_ =	sdelay $0x4  }
0x47: {  	v61 =	vshll.u32 v3, $0x1  }
0x48: {  	v3 =	vand.u32 $0x7, v3;
	v4 =	vand.u32 $0xFFFFFFF0, v61  }
0x49: {  	v3 =	vor.u32 v3, v4  }
0x4a: {  	v4 =	vperm.xlane v3, v0;
	_ =	sdelay $0x1  }
0x4b: {  	v3 =	vperm.xlane v3, v2;
	v4 =	vadd.s32 v1, v4;
	_ =	sdelay $0x1  }
0x4c: {  	v3 =	vadd.s32 v1, v3;
	_ =	sdelay $0x2  }
0x4d: {  	[tilespmem:s18], [sflag:$0x1] =	stream.indirect_vreg.gather [hbm4b:s3+s2], $0x80, v4, vm0, $0xb8;
	[tilespmem:$0x8080] =	vst v63  }
0x4e: {  	_ = 	snop  }
0x4f: {  	[tilespmem:s19], [sflag:$0x1] =	stream.indirect_vreg.gather [hbm4b:s3+s2], $0x80, v3, vm0, $0xb8;
	[tilespmem:$0x8080] =	vst v63  }
0x50: {  	v3 =	vld [tilespmem:$0x60];
	_ =	sdelay $0x4  }
0x51: {  	v62 =	vshll.u32 v3, $0x1  }
0x52: {  	v3 =	vand.u32 $0x7, v3;
	v4 =	vand.u32 $0xFFFFFFF0, v62  }
0x53: {  	v3 =	vor.u32 v3, v4  }
0x54: {  	v4 =	vperm.xlane v3, v0;
	_ =	sdelay $0x1  }
0x55: {  	v3 =	vperm.xlane v3, v2;
	v4 =	vadd.s32 v1, v4;
	_ =	sdelay $0x1  }
0x56: {  	v3 =	vadd.s32 v1, v3;
	_ =	sdelay $0x2  }
0x57: {  	[tilespmem:s20], [sflag:$0x1] =	stream.indirect_vreg.gather [hbm4b:s3+s2], $0x80, v4, vm0, $0xb8;
	[tilespmem:$0x8080] =	vst v63  }
0x58: {  	_ = 	snop  }
0x59: {  	[tilespmem:s21], [sflag:$0x1] =	stream.indirect_vreg.gather [hbm4b:s3+s2], $0x80, v3, vm0, $0xb8;
	[tilespmem:$0x8080] =	vst v63  }
0x5a: {  	v3 =	vld [tilespmem:$0x70];
	_ =	sdelay $0x4  }
0x5b: {  	v63 =	vshll.u32 v3, $0x1  }
0x5c: {  	v3 =	vand.u32 $0x7, v3;
	v4 =	vand.u32 $0xFFFFFFF0, v63  }
0x5d: {  	v3 =	vor.u32 v3, v4  }
0x5e: {  	v4 =	vperm.xlane v3, v0;
	_ =	sdelay $0x1  }
0x5f: {  	v3 =	vperm.xlane v3, v2;
	v4 =	vadd.s32 v1, v4;
	_ =	sdelay $0x1  }
0x60: {  	v3 =	vadd.s32 v1, v3;
	_ =	sdelay $0x2  }
0x61: {  	[tilespmem:s22], [sflag:$0x1] =	stream.indirect_vreg.gather [hbm4b:s3+s2], $0x80, v4, vm0, $0xb8;
	[tilespmem:$0x8080] =	vst v63  }
0x62: {  	_ = 	snop  }
0x63: {  	[tilespmem:s23], [sflag:$0x1] =	stream.indirect_vreg.gather [hbm4b:s3+s2], $0x80, v3, vm0, $0xb8;
	[tilespmem:$0x8080] =	vst v63  }
0x64: {  	_ =	swait.ge [sflag:s24], $0x8000  }
0x65: {  	p0 =	sne.s32 s6, $0x1;
	[sflag:s24] =	ssyncset.done $0x0  }
.Ltmp0:
0x66: {  	[sflag:s24] =	ssyncadd.s32 $0xFFFF8000;
	(pc) =	sbr.rel @p0 .LBB2_1-.Ltmp0, $4  }
0x67: {  	[hbm4b:s5+s2] =	stream.linear.scatter [tilespmem:s8], [sflag:$0x2], $0x8000, $0x38;
	[tilespmem:$0x8080] =	vst v63  }
0x68: {  	_ =	swait.ge [sflag:s7], $0x8000  }
0x69: {  	[sflag:s7] =	ssyncset.done $0x0  }
0x6a: {  	s6 =	sadd.s32 $0xFFFFFFFF, s6;
	[sflag:s7] =	ssyncadd.s32 $0xFFFF8000  }
0x6b: {  	_ =	sfence.sel $0x180000  }
0x6c: {  	[bflag:$0x0] =	sbarrier.arrive $0xFFFF  }
0x6d: {  	p0 =	sne.s32 s1, $0x0;
	_ =	strace $0x90000056  }
0x6e: {  	s0 =	sadd.s32 @!p0 $0x100000, s0;
	[bflag:$0x2] =	sbarrier.arrive $0xFFFF  }
0x6f: {  	[sflag:s0] =	ssyncadd.tile.s32 @!p0 $0x1;
	_ =	shalt  }
.Lfunc_end2:
_tile_overlayer_lowered:
.L_overlay_start_2:
0x70: {  	(tag) =	ssettag $0x2  }
0x71: {  	s0 =	rddreg [dreg:$0x0];
	s2 =	stileid.u32  }
0x72: {  	s1 =	rddreg [dreg:$0x1];
	p0 =	sne.s32 s2, $0x0  }
0x73: {  	s3 =	rddreg [dreg:$0x2];
	[bflag:$0x3] =	sbarrier.arrive $0xFFFF;
	s2 =	simm.s32 @!p0 $0x1C02  }
0x74: {  	[timem:s3], [sflag:s2] =	dma.local @!p0 [hbm:s0], s1  }
0x75: {  	s0 =	simm.s32 @!p0 $0x2  }
0x76: {  	_ =	swait.ge @!p0 [sflag:s0], s1  }
0x77: {  	s1 =	ssub.s32 @!p0 $0x0, s1;
	[sflag:s0] =	ssyncset.done @!p0 $0x0  }
0x78: {  	[sflag:s0] =	ssyncadd.s32 @!p0 s1  }
0x79: {  	[bflag:$0x3] =	sbarrier.arrive $0xFFFF  }
0x7a: {  	_ =	shalt  }

</sc_bundles>
